<compile_context>
chip_gen: v7x
topology: tpu7x:2x2x1
jax: 0.10.2.dev20260603
libtpu: 0.0.44.dev20260713+nightly
codegen_flags: <defaults>
</compile_context>

<pallas_src>
import functools

import jax
import jax.numpy as jnp
from jax import lax
from jax.experimental import pallas as pl
from jax.experimental.pallas import tpu as pltpu
from jax.experimental.pallas import tpu_sc as plsc

H, M = 16, 2048
BLK_R = 1024
N_BLK = M // BLK_R
NEG_INF = float("-inf")


NC, NS, LANES = 2, 16, 16
NW = NC * NS
PER_W = M // 2
N_BAND = PER_W // 128


def _sc_diag_body(x_hbm, out_hbm, band_v, acc_v, sem):
    wid = lax.axis_index("s") * NC + lax.axis_index("c")
    head = wid // 2
    half = wid % 2
    r0 = head * M + half * PER_W
    c0 = half * PER_W
    p16 = lax.iota(jnp.int32, LANES)

    def band_step(bd, acc):
        pltpu.async_copy(
            x_hbm.at[pl.ds(r0 + bd * 128, 128), pl.ds(c0 + bd * 128, 128)],
            band_v,
            sem,
        ).wait()
        for j in range(128):
            v = band_v[j, pl.ds((j // 16) * 16, 16)]
            acc = jnp.maximum(acc, jnp.where(p16 == j % 16, v, NEG_INF))
        return acc

    acc = jnp.full((LANES,), NEG_INF, jnp.float32)
    acc = lax.fori_loop(0, N_BAND, band_step, acc)
    acc_v[...] = acc
    pltpu.sync_copy(acc_v, out_hbm.at[wid])


def _sc_diag(x2v):
    mesh = plsc.VectorSubcoreMesh(core_axis_name="c", subcore_axis_name="s")
    k = functools.partial(
        pl.kernel,
        mesh=mesh,
        out_type=jax.ShapeDtypeStruct((NW, LANES), jnp.float32),
        scratch_types=[
            pltpu.VMEM((128, 128), jnp.float32),
            pltpu.VMEM((LANES,), jnp.float32),
            pltpu.SemaphoreType.DMA,
        ],
        compiler_params=pltpu.CompilerParams(use_tc_tiling_on_sc=True),
    )(_sc_diag_body)
    return k(x2v)




def _tc_body(x_ref, off_ref):
    b = pl.program_id(1)
    blk = x_ref[0]
    stripe = x_ref[0, :, pl.ds(b * BLK_R, BLK_R)]
    eye = (
        lax.broadcasted_iota(jnp.int32, (BLK_R, BLK_R), 0)
        == lax.broadcasted_iota(jnp.int32, (BLK_R, BLK_R), 1)
    )
    stripe_off = jnp.max(jnp.where(eye, NEG_INF, stripe))
    colmax = jnp.max(blk, axis=0, keepdims=True)
    in_stripe = (lax.broadcasted_iota(jnp.int32, (1, M), 1) // BLK_R) == b
    off_m = jnp.maximum(jnp.max(jnp.where(in_stripe, NEG_INF, colmax)), stripe_off)

    @pl.when(b == 0)
    def _():
        off_ref[...] = jnp.full((1, 1, 128), NEG_INF, jnp.float32)

    off_ref[...] = jnp.maximum(off_ref[...], off_m)


def kernel(x):
    xs = x.reshape(H, M, M)
    diag_parts = _sc_diag(x.reshape(H * M, M))
    off = pl.pallas_call(
        _tc_body,
        grid=(H, N_BLK),
        in_specs=[pl.BlockSpec((1, BLK_R, M), lambda h, b: (h, b, 0))],
        out_specs=[pl.BlockSpec((1, 1, 128), lambda h, b: (h, 0, 0))],
        out_shape=[jax.ShapeDtypeStruct((H, 1, 128), jnp.float32)],
    )(xs)[0]
    max_diag = jnp.max(diag_parts.reshape(H, 2 * LANES), axis=-1)
    return jnp.concatenate([max_diag, off[:, 0, 0]])[None, :]

# --- scband reference (transcript-rebuilt; emitter-appended) ---
"""Pipeline reference for scband-max-suffix-classification-14534169330353 (READ-ONLY COPY).

The authoritative reference and input builder live on the scoring server;
editing this copy changes nothing except your own understanding.
"""

import jax, jax.numpy as jnp
import numpy as np

def setup_inputs(seed: int = 0) -> dict:
    key = jax.random.key(seed)
    x = jax.random.normal(key, (1, 16, 2048, 2048), dtype=jnp.float32)
    return {"x": x}

def reference(x):
    m = x.shape[-1]
    # max over the diagonal of the last two dims
    max_diag = jnp.max(jnp.diagonal(x, axis1=-2, axis2=-1), axis=-1)
    # mask the diagonal with -inf (functional equivalent of torch in-place write)
    idx = jnp.arange(m)
    x_masked = x.at[:, :, idx, idx].set(-jnp.inf)
    max_off = jnp.max(jnp.max(x_masked, axis=-1), axis=-1)
    return jnp.concatenate((max_diag, max_off), axis=-1)

if __name__ == "__main__":
    import jax
    _d = setup_inputs()
    print(jax.jit(kernel)(*tuple(_d.values())))

</pallas_src>

<mosaic_0001>
#map = affine_map<(d0, d1) -> (0, 0)>
module attributes {stable_mosaic.version = 14 : i64} {
  func.func @_sc_diag_body(%arg0: i32, %arg1: i32, %arg2: memref<32768x2048xf32, #tpu.memory_space<hbm>>, %arg3: memref<32x16xf32, #tpu.memory_space<hbm>>, %arg4: memref<128x128xf32, #tpu.memory_space<vmem>>, %arg5: memref<16xf32, #tpu.memory_space<vmem>>, %arg6: memref<!tpu.dma_semaphore, #tpu.memory_space<semaphore_mem>>) attributes {dimension_semantics = [#tpu.dimension_semantics<core_parallel>, #tpu.dimension_semantics<subcore_parallel>], iteration_bounds = array<i64: 2, 16>, scalar_prefetch = 0 : i64, scratch_operands = 3 : i64, tpu.core_type = #tpu.core_type<sc_vector_subcore>, window_params = [{transform_indices = #map}, {transform_indices = #map}]} {
    %mul3A = arith.constant 2 : i32
    %mul3A_0 = arith.muli %arg1, %mul3A : i32
    %add3A = arith.addi %mul3A_0, %arg0 : i32
    %jit3A = arith.constant 2 : i32
    %div3A = arith.divsi %add3A, %jit3A : i32
    %sign3A = arith.constant 0 : i32
    %sign3A_1 = arith.cmpi sgt, %add3A, %sign3A : i32
    %sign3A_2 = arith.extui %sign3A_1 : i1 to i32
    %sign3A_3 = arith.constant 0 : i32
    %sign3A_4 = arith.cmpi slt, %add3A, %sign3A_3 : i32
    %sign3A_5 = arith.extui %sign3A_4 : i1 to i32
    %sign3A_6 = arith.subi %sign3A_2, %sign3A_5 : i32
    %sign3A_7 = arith.constant 0 : i32
    %sign3A_8 = arith.cmpi sgt, %jit3A, %sign3A_7 : i32
    %sign3A_9 = arith.extui %sign3A_8 : i1 to i32
    %sign3A_10 = arith.constant 0 : i32
    %sign3A_11 = arith.cmpi slt, %jit3A, %sign3A_10 : i32
    %sign3A_12 = arith.extui %sign3A_11 : i1 to i32
    %sign3A_13 = arith.subi %sign3A_9, %sign3A_12 : i32
    %ne3A = arith.cmpi ne, %sign3A_6, %sign3A_13 : i32
    %rem3A = arith.remsi %add3A, %jit3A : i32
    %ne3A_14 = arith.constant 0 : i32
    %ne3A_15 = arith.cmpi ne, %rem3A, %ne3A_14 : i32
    %and3A = arith.andi %ne3A, %ne3A_15 : i1
    %sub3A = arith.constant 1 : i32
    %sub3A_16 = arith.subi %div3A, %sub3A : i32
    %select_n3A = arith.select %and3A, %sub3A_16, %div3A : i32
    %jit3A_17 = arith.constant 2 : i32
    %eq3A = arith.constant 0 : i32
    %eq3A_18 = arith.cmpi eq, %jit3A_17, %eq3A : i32
    %jit3A_19 = arith.constant 1 : i32
    %select_n3A_20 = arith.select %eq3A_18, %jit3A_19, %jit3A_17 : i32
    %rem3A_21 = arith.remsi %add3A, %select_n3A_20 : i32
    %ne3A_22 = arith.constant 0 : i32
    %ne3A_23 = arith.cmpi ne, %rem3A_21, %ne3A_22 : i32
    %lt3A = arith.constant 0 : i32
    %lt3A_24 = arith.cmpi slt, %rem3A_21, %lt3A : i32
    %lt3A_25 = arith.constant 0 : i32
    %lt3A_26 = arith.cmpi slt, %select_n3A_20, %lt3A_25 : i32
    %ne3A_27 = arith.xori %lt3A_24, %lt3A_26 : i1
    %and3A_28 = arith.andi %ne3A_27, %ne3A_23 : i1
    %add3A_29 = arith.addi %rem3A_21, %select_n3A_20 : i32
    %select_n3A_30 = arith.select %and3A_28, %add3A_29, %rem3A_21 : i32
    %mul3A_31 = arith.constant 2048 : i32
    %mul3A_32 = arith.muli %select_n3A, %mul3A_31 : i32
    %mul3A_33 = arith.constant 1024 : i32
    %mul3A_34 = arith.muli %select_n3A_30, %mul3A_33 : i32
    %add3A_35 = arith.addi %mul3A_32, %mul3A_34 : i32
    %mul3A_36 = arith.constant 1024 : i32
    %mul3A_37 = arith.muli %select_n3A_30, %mul3A_36 : i32
    %iota3A = tpu.iota {dimensions = array<i32: 0>} : vector<16xi32>
    %broadcast_in_dim3A = arith.constant 0xFF800000 : f32
    %broadcast_in_dim3A_38 = vector.broadcast %broadcast_in_dim3A : f32 to vector<16xf32>
    %scan3A = arith.constant 0 : i32
    %scan3A_39 = arith.constant 8 : i32
    %scan3A_40 = arith.addi %scan3A, %scan3A_39 : i32
    %scan3A_41 = arith.constant 1 : i32
    %scan3A_42 = scf.for %scan3A_47 = %scan3A to %scan3A_40 step %scan3A_41 iter_args(%scan3A_48 = %broadcast_in_dim3A_38) -> (vector<16xf32>)  : i32 {
      %mul3A_49 = arith.constant 128 : i32
      %mul3A_50 = arith.muli %scan3A_47, %mul3A_49 : i32
      %add3A_51 = arith.addi %add3A_35, %mul3A_50 : i32
      %mul3A_52 = arith.constant 128 : i32
      %mul3A_53 = arith.muli %scan3A_47, %mul3A_52 : i32
      %add3A_54 = arith.addi %mul3A_37, %mul3A_53 : i32
      %dma_start3A = tpu.memref_slice %arg2[%add3A_51, %add3A_54] : memref<32768x2048xf32, #tpu.memory_space<hbm>> -> memref<128x128xf32, #tpu.memory_space<hbm>>
      %dma_start3A_55 = tpu.memref_slice %arg2[%add3A_51, %add3A_54] : memref<32768x2048xf32, #tpu.memory_space<hbm>> -> memref<128x128xf32, #tpu.memory_space<hbm>>
      tpu.enqueue_dma source(%dma_start3A_55 : memref<128x128xf32, #tpu.memory_space<hbm>>) target(%arg4 : memref<128x128xf32, #tpu.memory_space<vmem>>) target_semaphore(%arg6 : memref<!tpu.dma_semaphore, #tpu.memory_space<semaphore_mem>>)
      %dma_wait3A = tpu.memref_slice %arg2[%add3A_51, %add3A_54] : memref<32768x2048xf32, #tpu.memory_space<hbm>> -> memref<128x128xf32, #tpu.memory_space<hbm>>
      %dma_wait3A_56 = tpu.memref_slice %arg2[%add3A_51, %add3A_54] : memref<32768x2048xf32, #tpu.memory_space<hbm>> -> memref<128x128xf32, #tpu.memory_space<hbm>>
      tpu.wait_dma2 semaphore(%arg6 : memref<!tpu.dma_semaphore, #tpu.memory_space<semaphore_mem>>) src(%dma_wait3A_56 : memref<128x128xf32, #tpu.memory_space<hbm>>) dst(%arg4 : memref<128x128xf32, #tpu.memory_space<vmem>>)
      %get3A = arith.constant 0 : i32
      %get3A_57 = arith.index_cast %get3A : i32 to index
      %get3A_58 = arith.constant 0 : index
      %get3A_59 = tpu.vector_load %arg4[%get3A_57, %get3A_58] {strides = array<i32>} : memref<128x128xf32, #tpu.memory_space<vmem>>, vector<1x16xf32>,
      %get3A_60 = vector.shape_cast %get3A_59 : vector<1x16xf32> to vector<16xf32>
      %eq3A_61 = arith.constant 0 : i32
      %eq3A_62 = vector.broadcast %eq3A_61 : i32 to vector<16xi32>
      %eq3A_63 = arith.cmpi eq, %iota3A, %eq3A_62 : vector<16xi32>
      %jit3A_64 = arith.constant 0xFF800000 : f32
      %broadcast_in_dim3A_65 = vector.broadcast %jit3A_64 : f32 to vector<16xf32>
      %select_n3A_66 = arith.select %eq3A_63, %get3A_60, %broadcast_in_dim3A_65 : vector<16xi1>, vector<16xf32>
      %max3A = arith.maximumf %scan3A_48, %select_n3A_66 : vector<16xf32>
      %get3A_67 = arith.constant 1 : i32
      %get3A_68 = arith.index_cast %get3A_67 : i32 to index
      %get3A_69 = arith.constant 0 : index
      %get3A_70 = tpu.vector_load %arg4[%get3A_68, %get3A_69] {strides = array<i32>} : memref<128x128xf32, #tpu.memory_space<vmem>>, vector<1x16xf32>,
      %get3A_71 = vector.shape_cast %get3A_70 : vector<1x16xf32> to vector<16xf32>
      %eq3A_72 = arith.constant 1 : i32
      %eq3A_73 = vector.broadcast %eq3A_72 : i32 to vector<16xi32>
      %eq3A_74 = arith.cmpi eq, %iota3A, %eq3A_73 : vector<16xi32>
      %jit3A_75 = arith.constant 0xFF800000 : f32
      %broadcast_in_dim3A_76 = vector.broadcast %jit3A_75 : f32 to vector<16xf32>
      %select_n3A_77 = arith.select %eq3A_74, %get3A_71, %broadcast_in_dim3A_76 : vector<16xi1>, vector<16xf32>
      %max3A_78 = arith.maximumf %max3A, %select_n3A_77 : vector<16xf32>
      %get3A_79 = arith.constant 2 : i32
      %get3A_80 = arith.index_cast %get3A_79 : i32 to index
      %get3A_81 = arith.constant 0 : index
      %get3A_82 = tpu.vector_load %arg4[%get3A_80, %get3A_81] {strides = array<i32>} : memref<128x128xf32, #tpu.memory_space<vmem>>, vector<1x16xf32>,
      %get3A_83 = vector.shape_cast %get3A_82 : vector<1x16xf32> to vector<16xf32>
      %eq3A_84 = arith.constant 2 : i32
      %eq3A_85 = vector.broadcast %eq3A_84 : i32 to vector<16xi32>
      %eq3A_86 = arith.cmpi eq, %iota3A, %eq3A_85 : vector<16xi32>
      %jit3A_87 = arith.constant 0xFF800000 : f32
      %broadcast_in_dim3A_88 = vector.broadcast %jit3A_87 : f32 to vector<16xf32>
      %select_n3A_89 = arith.select %eq3A_86, %get3A_83, %broadcast_in_dim3A_88 : vector<16xi1>, vector<16xf32>
      %max3A_90 = arith.maximumf %max3A_78, %select_n3A_89 : vector<16xf32>
      %get3A_91 = arith.constant 3 : i32
      %get3A_92 = arith.index_cast %get3A_91 : i32 to index
      %get3A_93 = arith.constant 0 : index
      %get3A_94 = tpu.vector_load %arg4[%get3A_92, %get3A_93] {strides = array<i32>} : memref<128x128xf32, #tpu.memory_space<vmem>>, vector<1x16xf32>,
      %get3A_95 = vector.shape_cast %get3A_94 : vector<1x16xf32> to vector<16xf32>
      %eq3A_96 = arith.constant 3 : i32
      %eq3A_97 = vector.broadcast %eq3A_96 : i32 to vector<16xi32>
      %eq3A_98 = arith.cmpi eq, %iota3A, %eq3A_97 : vector<16xi32>
      %jit3A_99 = arith.constant 0xFF800000 : f32
      %broadcast_in_dim3A_100 = vector.broadcast %jit3A_99 : f32 to vector<16xf32>
      %select_n3A_101 = arith.select %eq3A_98, %get3A_95, %broadcast_in_dim3A_100 : vector<16xi1>, vector<16xf32>
      %max3A_102 = arith.maximumf %max3A_90, %select_n3A_101 : vector<16xf32>
      %get3A_103 = arith.constant 4 : i32
      %get3A_104 = arith.index_cast %get3A_103 : i32 to index
      %get3A_105 = arith.constant 0 : index
      %get3A_106 = tpu.vector_load %arg4[%get3A_104, %get3A_105] {strides = array<i32>} : memref<128x128xf32, #tpu.memory_space<vmem>>, vector<1x16xf32>,
      %get3A_107 = vector.shape_cast %get3A_106 : vector<1x16xf32> to vector<16xf32>
      %eq3A_108 = arith.constant 4 : i32
      %eq3A_109 = vector.broadcast %eq3A_108 : i32 to vector<16xi32>
      %eq3A_110 = arith.cmpi eq, %iota3A, %eq3A_109 : vector<16xi32>
      %jit3A_111 = arith.constant 0xFF800000 : f32
      %broadcast_in_dim3A_112 = vector.broadcast %jit3A_111 : f32 to vector<16xf32>
      %select_n3A_113 = arith.select %eq3A_110, %get3A_107, %broadcast_in_dim3A_112 : vector<16xi1>, vector<16xf32>
      %max3A_114 = arith.maximumf %max3A_102, %select_n3A_113 : vector<16xf32>
      %get3A_115 = arith.constant 5 : i32
      %get3A_116 = arith.index_cast %get3A_115 : i32 to index
      %get3A_117 = arith.constant 0 : index
      %get3A_118 = tpu.vector_load %arg4[%get3A_116, %get3A_117] {strides = array<i32>} : memref<128x128xf32, #tpu.memory_space<vmem>>, vector<1x16xf32>,
      %get3A_119 = vector.shape_cast %get3A_118 : vector<1x16xf32> to vector<16xf32>
      %eq3A_120 = arith.constant 5 : i32
      %eq3A_121 = vector.broadcast %eq3A_120 : i32 to vector<16xi32>
      %eq3A_122 = arith.cmpi eq, %iota3A, %eq3A_121 : vector<16xi32>
      %jit3A_123 = arith.constant 0xFF800000 : f32
      %broadcast_in_dim3A_124 = vector.broadcast %jit3A_123 : f32 to vector<16xf32>
      %select_n3A_125 = arith.select %eq3A_122, %get3A_119, %broadcast_in_dim3A_124 : vector<16xi1>, vector<16xf32>
      %max3A_126 = arith.maximumf %max3A_114, %select_n3A_125 : vector<16xf32>
      %get3A_127 = arith.constant 6 : i32
      %get3A_128 = arith.index_cast %get3A_127 : i32 to index
      %get3A_129 = arith.constant 0 : index
      %get3A_130 = tpu.vector_load %arg4[%get3A_128, %get3A_129] {strides = array<i32>} : memref<128x128xf32, #tpu.memory_space<vmem>>, vector<1x16xf32>,
      %get3A_131 = vector.shape_cast %get3A_130 : vector<1x16xf32> to vector<16xf32>
      %eq3A_132 = arith.constant 6 : i32
      %eq3A_133 = vector.broadcast %eq3A_132 : i32 to vector<16xi32>
      %eq3A_134 = arith.cmpi eq, %iota3A, %eq3A_133 : vector<16xi32>
      %jit3A_135 = arith.constant 0xFF800000 : f32
      %broadcast_in_dim3A_136 = vector.broadcast %jit3A_135 : f32 to vector<16xf32>
      %select_n3A_137 = arith.select %eq3A_134, %get3A_131, %broadcast_in_dim3A_136 : vector<16xi1>, vector<16xf32>
      %max3A_138 = arith.maximumf %max3A_126, %select_n3A_137 : vector<16xf32>
      %get3A_139 = arith.constant 7 : i32
      %get3A_140 = arith.index_cast %get3A_139 : i32 to index
      %get3A_141 = arith.constant 0 : index
      %get3A_142 = tpu.vector_load %arg4[%get3A_140, %get3A_141] {strides = array<i32>} : memref<128x128xf32, #tpu.memory_space<vmem>>, vector<1x16xf32>,
      %get3A_143 = vector.shape_cast %get3A_142 : vector<1x16xf32> to vector<16xf32>
      %eq3A_144 = arith.constant 7 : i32
      %eq3A_145 = vector.broadcast %eq3A_144 : i32 to vector<16xi32>
      %eq3A_146 = arith.cmpi eq, %iota3A, %eq3A_145 : vector<16xi32>
      %jit3A_147 = arith.constant 0xFF800000 : f32
      %broadcast_in_dim3A_148 = vector.broadcast %jit3A_147 : f32 to vector<16xf32>
      %select_n3A_149 = arith.select %eq3A_146, %get3A_143, %broadcast_in_dim3A_148 : vector<16xi1>, vector<16xf32>
      %max3A_150 = arith.maximumf %max3A_138, %select_n3A_149 : vector<16xf32>
      %get3A_151 = arith.constant 8 : i32
      %get3A_152 = arith.index_cast %get3A_151 : i32 to index
      %get3A_153 = arith.constant 0 : index
      %get3A_154 = tpu.vector_load %arg4[%get3A_152, %get3A_153] {strides = array<i32>} : memref<128x128xf32, #tpu.memory_space<vmem>>, vector<1x16xf32>,
      %get3A_155 = vector.shape_cast %get3A_154 : vector<1x16xf32> to vector<16xf32>
      %eq3A_156 = arith.constant 8 : i32
      %eq3A_157 = vector.broadcast %eq3A_156 : i32 to vector<16xi32>
      %eq3A_158 = arith.cmpi eq, %iota3A, %eq3A_157 : vector<16xi32>
      %jit3A_159 = arith.constant 0xFF800000 : f32
      %broadcast_in_dim3A_160 = vector.broadcast %jit3A_159 : f32 to vector<16xf32>
      %select_n3A_161 = arith.select %eq3A_158, %get3A_155, %broadcast_in_dim3A_160 : vector<16xi1>, vector<16xf32>
      %max3A_162 = arith.maximumf %max3A_150, %select_n3A_161 : vector<16xf32>
      %get3A_163 = arith.constant 9 : i32
      %get3A_164 = arith.index_cast %get3A_163 : i32 to index
      %get3A_165 = arith.constant 0 : index
      %get3A_166 = tpu.vector_load %arg4[%get3A_164, %get3A_165] {strides = array<i32>} : memref<128x128xf32, #tpu.memory_space<vmem>>, vector<1x16xf32>,
      %get3A_167 = vector.shape_cast %get3A_166 : vector<1x16xf32> to vector<16xf32>
      %eq3A_168 = arith.constant 9 : i32
      %eq3A_169 = vector.broadcast %eq3A_168 : i32 to vector<16xi32>
      %eq3A_170 = arith.cmpi eq, %iota3A, %eq3A_169 : vector<16xi32>
      %jit3A_171 = arith.constant 0xFF800000 : f32
      %broadcast_in_dim3A_172 = vector.broadcast %jit3A_171 : f32 to vector<16xf32>
      %select_n3A_173 = arith.select %eq3A_170, %get3A_167, %broadcast_in_dim3A_172 : vector<16xi1>, vector<16xf32>
      %max3A_174 = arith.maximumf %max3A_162, %select_n3A_173 : vector<16xf32>
      %get3A_175 = arith.constant 10 : i32
      %get3A_176 = arith.index_cast %get3A_175 : i32 to index
      %get3A_177 = arith.constant 0 : index
      %get3A_178 = tpu.vector_load %arg4[%get3A_176, %get3A_177] {strides = array<i32>} : memref<128x128xf32, #tpu.memory_space<vmem>>, vector<1x16xf32>,
      %get3A_179 = vector.shape_cast %get3A_178 : vector<1x16xf32> to vector<16xf32>
      %eq3A_180 = arith.constant 10 : i32
      %eq3A_181 = vector.broadcast %eq3A_180 : i32 to vector<16xi32>
      %eq3A_182 = arith.cmpi eq, %iota3A, %eq3A_181 : vector<16xi32>
      %jit3A_183 = arith.constant 0xFF800000 : f32
      %broadcast_in_dim3A_184 = vector.broadcast %jit3A_183 : f32 to vector<16xf32>
      %select_n3A_185 = arith.select %eq3A_182, %get3A_179, %broadcast_in_dim3A_184 : vector<16xi1>, vector<16xf32>
      %max3A_186 = arith.maximumf %max3A_174, %select_n3A_185 : vector<16xf32>
      %get3A_187 = arith.constant 11 : i32
      %get3A_188 = arith.index_cast %get3A_187 : i32 to index
      %get3A_189 = arith.constant 0 : index
      %get3A_190 = tpu.vector_load %arg4[%get3A_188, %get3A_189] {strides = array<i32>} : memref<128x128xf32, #tpu.memory_space<vmem>>, vector<1x16xf32>,
      %get3A_191 = vector.shape_cast %get3A_190 : vector<1x16xf32> to vector<16xf32>
      %eq3A_192 = arith.constant 11 : i32
      %eq3A_193 = vector.broadcast %eq3A_192 : i32 to vector<16xi32>
      %eq3A_194 = arith.cmpi eq, %iota3A, %eq3A_193 : vector<16xi32>
      %jit3A_195 = arith.constant 0xFF800000 : f32
      %broadcast_in_dim3A_196 = vector.broadcast %jit3A_195 : f32 to vector<16xf32>
      %select_n3A_197 = arith.select %eq3A_194, %get3A_191, %broadcast_in_dim3A_196 : vector<16xi1>, vector<16xf32>
      %max3A_198 = arith.maximumf %max3A_186, %select_n3A_197 : vector<16xf32>
      %get3A_199 = arith.constant 12 : i32
      %get3A_200 = arith.index_cast %get3A_199 : i32 to index
      %get3A_201 = arith.constant 0 : index
      %get3A_202 = tpu.vector_load %arg4[%get3A_200, %get3A_201] {strides = array<i32>} : memref<128x128xf32, #tpu.memory_space<vmem>>, vector<1x16xf32>,
      %get3A_203 = vector.shape_cast %get3A_202 : vector<1x16xf32> to vector<16xf32>
      %eq3A_204 = arith.constant 12 : i32
      %eq3A_205 = vector.broadcast %eq3A_204 : i32 to vector<16xi32>
      %eq3A_206 = arith.cmpi eq, %iota3A, %eq3A_205 : vector<16xi32>
      %jit3A_207 = arith.constant 0xFF800000 : f32
      %broadcast_in_dim3A_208 = vector.broadcast %jit3A_207 : f32 to vector<16xf32>
      %select_n3A_209 = arith.select %eq3A_206, %get3A_203, %broadcast_in_dim3A_208 : vector<16xi1>, vector<16xf32>
      %max3A_210 = arith.maximumf %max3A_198, %select_n3A_209 : vector<16xf32>
      %get3A_211 = arith.constant 13 : i32
      %get3A_212 = arith.index_cast %get3A_211 : i32 to index
      %get3A_213 = arith.constant 0 : index
      %get3A_214 = tpu.vector_load %arg4[%get3A_212, %get3A_213] {strides = array<i32>} : memref<128x128xf32, #tpu.memory_space<vmem>>, vector<1x16xf32>,
      %get3A_215 = vector.shape_cast %get3A_214 : vector<1x16xf32> to vector<16xf32>
      %eq3A_216 = arith.constant 13 : i32
      %eq3A_217 = vector.broadcast %eq3A_216 : i32 to vector<16xi32>
      %eq3A_218 = arith.cmpi eq, %iota3A, %eq3A_217 : vector<16xi32>
      %jit3A_219 = arith.constant 0xFF800000 : f32
      %broadcast_in_dim3A_220 = vector.broadcast %jit3A_219 : f32 to vector<16xf32>
      %select_n3A_221 = arith.select %eq3A_218, %get3A_215, %broadcast_in_dim3A_220 : vector<16xi1>, vector<16xf32>
      %max3A_222 = arith.maximumf %max3A_210, %select_n3A_221 : vector<16xf32>
      %get3A_223 = arith.constant 14 : i32
      %get3A_224 = arith.index_cast %get3A_223 : i32 to index
      %get3A_225 = arith.constant 0 : index
      %get3A_226 = tpu.vector_load %arg4[%get3A_224, %get3A_225] {strides = array<i32>} : memref<128x128xf32, #tpu.memory_space<vmem>>, vector<1x16xf32>,
      %get3A_227 = vector.shape_cast %get3A_226 : vector<1x16xf32> to vector<16xf32>
      %eq3A_228 = arith.constant 14 : i32
      %eq3A_229 = vector.broadcast %eq3A_228 : i32 to vector<16xi32>
      %eq3A_230 = arith.cmpi eq, %iota3A, %eq3A_229 : vector<16xi32>
      %jit3A_231 = arith.constant 0xFF800000 : f32
      %broadcast_in_dim3A_232 = vector.broadcast %jit3A_231 : f32 to vector<16xf32>
      %select_n3A_233 = arith.select %eq3A_230, %get3A_227, %broadcast_in_dim3A_232 : vector<16xi1>, vector<16xf32>
      %max3A_234 = arith.maximumf %max3A_222, %select_n3A_233 : vector<16xf32>
      %get3A_235 = arith.constant 15 : i32
      %get3A_236 = arith.index_cast %get3A_235 : i32 to index
      %get3A_237 = arith.constant 0 : index
      %get3A_238 = tpu.vector_load %arg4[%get3A_236, %get3A_237] {strides = array<i32>} : memref<128x128xf32, #tpu.memory_space<vmem>>, vector<1x16xf32>,
      %get3A_239 = vector.shape_cast %get3A_238 : vector<1x16xf32> to vector<16xf32>
      %eq3A_240 = arith.constant 15 : i32
      %eq3A_241 = vector.broadcast %eq3A_240 : i32 to vector<16xi32>
      %eq3A_242 = arith.cmpi eq, %iota3A, %eq3A_241 : vector<16xi32>
      %jit3A_243 = arith.constant 0xFF800000 : f32
      %broadcast_in_dim3A_244 = vector.broadcast %jit3A_243 : f32 to vector<16xf32>
      %select_n3A_245 = arith.select %eq3A_242, %get3A_239, %broadcast_in_dim3A_244 : vector<16xi1>, vector<16xf32>
      %max3A_246 = arith.maximumf %max3A_234, %select_n3A_245 : vector<16xf32>
      %get3A_247 = arith.constant 16 : i32
      %get3A_248 = arith.index_cast %get3A_247 : i32 to index
      %get3A_249 = arith.constant 16 : index
      %get3A_250 = tpu.vector_load %arg4[%get3A_248, %get3A_249] {strides = array<i32>} : memref<128x128xf32, #tpu.memory_space<vmem>>, vector<1x16xf32>,
      %get3A_251 = vector.shape_cast %get3A_250 : vector<1x16xf32> to vector<16xf32>
      %eq3A_252 = arith.constant 0 : i32
      %eq3A_253 = vector.broadcast %eq3A_252 : i32 to vector<16xi32>
      %eq3A_254 = arith.cmpi eq, %iota3A, %eq3A_253 : vector<16xi32>
      %jit3A_255 = arith.constant 0xFF800000 : f32
      %broadcast_in_dim3A_256 = vector.broadcast %jit3A_255 : f32 to vector<16xf32>
      %select_n3A_257 = arith.select %eq3A_254, %get3A_251, %broadcast_in_dim3A_256 : vector<16xi1>, vector<16xf32>
      %max3A_258 = arith.maximumf %max3A_246, %select_n3A_257 : vector<16xf32>
      %get3A_259 = arith.constant 17 : i32
      %get3A_260 = arith.index_cast %get3A_259 : i32 to index
      %get3A_261 = arith.constant 16 : index
      %get3A_262 = tpu.vector_load %arg4[%get3A_260, %get3A_261] {strides = array<i32>} : memref<128x128xf32, #tpu.memory_space<vmem>>, vector<1x16xf32>,
      %get3A_263 = vector.shape_cast %get3A_262 : vector<1x16xf32> to vector<16xf32>
      %eq3A_264 = arith.constant 1 : i32
      %eq3A_265 = vector.broadcast %eq3A_264 : i32 to vector<16xi32>
      %eq3A_266 = arith.cmpi eq, %iota3A, %eq3A_265 : vector<16xi32>
      %jit3A_267 = arith.constant 0xFF800000 : f32
      %broadcast_in_dim3A_268 = vector.broadcast %jit3A_267 : f32 to vector<16xf32>
      %select_n3A_269 = arith.select %eq3A_266, %get3A_263, %broadcast_in_dim3A_268 : vector<16xi1>, vector<16xf32>
      %max3A_270 = arith.maximumf %max3A_258, %select_n3A_269 : vector<16xf32>
      %get3A_271 = arith.constant 18 : i32
      %get3A_272 = arith.index_cast %get3A_271 : i32 to index
      %get3A_273 = arith.constant 16 : index
      %get3A_274 = tpu.vector_load %arg4[%get3A_272, %get3A_273] {strides = array<i32>} : memref<128x128xf32, #tpu.memory_space<vmem>>, vector<1x16xf32>,
      %get3A_275 = vector.shape_cast %get3A_274 : vector<1x16xf32> to vector<16xf32>
      %eq3A_276 = arith.constant 2 : i32
      %eq3A_277 = vector.broadcast %eq3A_276 : i32 to vector<16xi32>
      %eq3A_278 = arith.cmpi eq, %iota3A, %eq3A_277 : vector<16xi32>
      %jit3A_279 = arith.constant 0xFF800000 : f32
      %broadcast_in_dim3A_280 = vector.broadcast %jit3A_279 : f32 to vector<16xf32>
      %select_n3A_281 = arith.select %eq3A_278, %get3A_275, %broadcast_in_dim3A_280 : vector<16xi1>, vector<16xf32>
      %max3A_282 = arith.maximumf %max3A_270, %select_n3A_281 : vector<16xf32>
      %get3A_283 = arith.constant 19 : i32
      %get3A_284 = arith.index_cast %get3A_283 : i32 to index
      %get3A_285 = arith.constant 16 : index
      %get3A_286 = tpu.vector_load %arg4[%get3A_284, %get3A_285] {strides = array<i32>} : memref<128x128xf32, #tpu.memory_space<vmem>>, vector<1x16xf32>,
      %get3A_287 = vector.shape_cast %get3A_286 : vector<1x16xf32> to vector<16xf32>
      %eq3A_288 = arith.constant 3 : i32
      %eq3A_289 = vector.broadcast %eq3A_288 : i32 to vector<16xi32>
      %eq3A_290 = arith.cmpi eq, %iota3A, %eq3A_289 : vector<16xi32>
      %jit3A_291 = arith.constant 0xFF800000 : f32
      %broadcast_in_dim3A_292 = vector.broadcast %jit3A_291 : f32 to vector<16xf32>
      %select_n3A_293 = arith.select %eq3A_290, %get3A_287, %broadcast_in_dim3A_292 : vector<16xi1>, vector<16xf32>
      %max3A_294 = arith.maximumf %max3A_282, %select_n3A_293 : vector<16xf32>
      %get3A_295 = arith.constant 20 : i32
      %get3A_296 = arith.index_cast %get3A_295 : i32 to index
      %get3A_297 = arith.constant 16 : index
      %get3A_298 = tpu.vector_load %arg4[%get3A_296, %get3A_297] {strides = array<i32>} : memref<128x128xf32, #tpu.memory_space<vmem>>, vector<1x16xf32>,
      %get3A_299 = vector.shape_cast %get3A_298 : vector<1x16xf32> to vector<16xf32>
      %eq3A_300 = arith.constant 4 : i32
      %eq3A_301 = vector.broadcast %eq3A_300 : i32 to vector<16xi32>
      %eq3A_302 = arith.cmpi eq, %iota3A, %eq3A_301 : vector<16xi32>
      %jit3A_303 = arith.constant 0xFF800000 : f32
      %broadcast_in_dim3A_304 = vector.broadcast %jit3A_303 : f32 to vector<16xf32>
      %select_n3A_305 = arith.select %eq3A_302, %get3A_299, %broadcast_in_dim3A_304 : vector<16xi1>, vector<16xf32>
      %max3A_306 = arith.maximumf %max3A_294, %select_n3A_305 : vector<16xf32>
      %get3A_307 = arith.constant 21 : i32
      %get3A_308 = arith.index_cast %get3A_307 : i32 to index
      %get3A_309 = arith.constant 16 : index
      %get3A_310 = tpu.vector_load %arg4[%get3A_308, %get3A_309] {strides = array<i32>} : memref<128x128xf32, #tpu.memory_space<vmem>>, vector<1x16xf32>,
      %get3A_311 = vector.shape_cast %get3A_310 : vector<1x16xf32> to vector<16xf32>
      %eq3A_312 = arith.constant 5 : i32
      %eq3A_313 = vector.broadcast %eq3A_312 : i32 to vector<16xi32>
      %eq3A_314 = arith.cmpi eq, %iota3A, %eq3A_313 : vector<16xi32>
      %jit3A_315 = arith.constant 0xFF800000 : f32
      %broadcast_in_dim3A_316 = vector.broadcast %jit3A_315 : f32 to vector<16xf32>
      %select_n3A_317 = arith.select %eq3A_314, %get3A_311, %broadcast_in_dim3A_316 : vector<16xi1>, vector<16xf32>
      %max3A_318 = arith.maximumf %max3A_306, %select_n3A_317 : vector<16xf32>
      %get3A_319 = arith.constant 22 : i32
      %get3A_320 = arith.index_cast %get3A_319 : i32 to index
      %get3A_321 = arith.constant 16 : index
      %get3A_322 = tpu.vector_load %arg4[%get3A_320, %get3A_321] {strides = array<i32>} : memref<128x128xf32, #tpu.memory_space<vmem>>, vector<1x16xf32>,
      %get3A_323 = vector.shape_cast %get3A_322 : vector<1x16xf32> to vector<16xf32>
      %eq3A_324 = arith.constant 6 : i32
      %eq3A_325 = vector.broadcast %eq3A_324 : i32 to vector<16xi32>
      %eq3A_326 = arith.cmpi eq, %iota3A, %eq3A_325 : vector<16xi32>
      %jit3A_327 = arith.constant 0xFF800000 : f32
      %broadcast_in_dim3A_328 = vector.broadcast %jit3A_327 : f32 to vector<16xf32>
      %select_n3A_329 = arith.select %eq3A_326, %get3A_323, %broadcast_in_dim3A_328 : vector<16xi1>, vector<16xf32>
      %max3A_330 = arith.maximumf %max3A_318, %select_n3A_329 : vector<16xf32>
      %get3A_331 = arith.constant 23 : i32
      %get3A_332 = arith.index_cast %get3A_331 : i32 to index
      %get3A_333 = arith.constant 16 : index
      %get3A_334 = tpu.vector_load %arg4[%get3A_332, %get3A_333] {strides = array<i32>} : memref<128x128xf32, #tpu.memory_space<vmem>>, vector<1x16xf32>,
      %get3A_335 = vector.shape_cast %get3A_334 : vector<1x16xf32> to vector<16xf32>
      %eq3A_336 = arith.constant 7 : i32
      %eq3A_337 = vector.broadcast %eq3A_336 : i32 to vector<16xi32>
      %eq3A_338 = arith.cmpi eq, %iota3A, %eq3A_337 : vector<16xi32>
      %jit3A_339 = arith.constant 0xFF800000 : f32
      %broadcast_in_dim3A_340 = vector.broadcast %jit3A_339 : f32 to vector<16xf32>
      %select_n3A_341 = arith.select %eq3A_338, %get3A_335, %broadcast_in_dim3A_340 : vector<16xi1>, vector<16xf32>
      %max3A_342 = arith.maximumf %max3A_330, %select_n3A_341 : vector<16xf32>
      %get3A_343 = arith.constant 24 : i32
      %get3A_344 = arith.index_cast %get3A_343 : i32 to index
      %get3A_345 = arith.constant 16 : index
      %get3A_346 = tpu.vector_load %arg4[%get3A_344, %get3A_345] {strides = array<i32>} : memref<128x128xf32, #tpu.memory_space<vmem>>, vector<1x16xf32>,
      %get3A_347 = vector.shape_cast %get3A_346 : vector<1x16xf32> to vector<16xf32>
      %eq3A_348 = arith.constant 8 : i32
      %eq3A_349 = vector.broadcast %eq3A_348 : i32 to vector<16xi32>
      %eq3A_350 = arith.cmpi eq, %iota3A, %eq3A_349 : vector<16xi32>
      %jit3A_351 = arith.constant 0xFF800000 : f32
      %broadcast_in_dim3A_352 = vector.broadcast %jit3A_351 : f32 to vector<16xf32>
      %select_n3A_353 = arith.select %eq3A_350, %get3A_347, %broadcast_in_dim3A_352 : vector<16xi1>, vector<16xf32>
      %max3A_354 = arith.maximumf %max3A_342, %select_n3A_353 : vector<16xf32>
      %get3A_355 = arith.constant 25 : i32
      %get3A_356 = arith.index_cast %get3A_355 : i32 to index
      %get3A_357 = arith.constant 16 : index
      %get3A_358 = tpu.vector_load %arg4[%get3A_356, %get3A_357] {strides = array<i32>} : memref<128x128xf32, #tpu.memory_space<vmem>>, vector<1x16xf32>,
      %get3A_359 = vector.shape_cast %get3A_358 : vector<1x16xf32> to vector<16xf32>
      %eq3A_360 = arith.constant 9 : i32
      %eq3A_361 = vector.broadcast %eq3A_360 : i32 to vector<16xi32>
      %eq3A_362 = arith.cmpi eq, %iota3A, %eq3A_361 : vector<16xi32>
      %jit3A_363 = arith.constant 0xFF800000 : f32
      %broadcast_in_dim3A_364 = vector.broadcast %jit3A_363 : f32 to vector<16xf32>
      %select_n3A_365 = arith.select %eq3A_362, %get3A_359, %broadcast_in_dim3A_364 : vector<16xi1>, vector<16xf32>
      %max3A_366 = arith.maximumf %max3A_354, %select_n3A_365 : vector<16xf32>
      %get3A_367 = arith.constant 26 : i32
      %get3A_368 = arith.index_cast %get3A_367 : i32 to index
      %get3A_369 = arith.constant 16 : index
      %get3A_370 = tpu.vector_load %arg4[%get3A_368, %get3A_369] {strides = array<i32>} : memref<128x128xf32, #tpu.memory_space<vmem>>, vector<1x16xf32>,
      %get3A_371 = vector.shape_cast %get3A_370 : vector<1x16xf32> to vector<16xf32>
      %eq3A_372 = arith.constant 10 : i32
      %eq3A_373 = vector.broadcast %eq3A_372 : i32 to vector<16xi32>
      %eq3A_374 = arith.cmpi eq, %iota3A, %eq3A_373 : vector<16xi32>
      %jit3A_375 = arith.constant 0xFF800000 : f32
      %broadcast_in_dim3A_376 = vector.broadcast %jit3A_375 : f32 to vector<16xf32>
      %select_n3A_377 = arith.select %eq3A_374, %get3A_371, %broadcast_in_dim3A_376 : vector<16xi1>, vector<16xf32>
      %max3A_378 = arith.maximumf %max3A_366, %select_n3A_377 : vector<16xf32>
      %get3A_379 = arith.constant 27 : i32
      %get3A_380 = arith.index_cast %get3A_379 : i32 to index
      %get3A_381 = arith.constant 16 : index
      %get3A_382 = tpu.vector_load %arg4[%get3A_380, %get3A_381] {strides = array<i32>} : memref<128x128xf32, #tpu.memory_space<vmem>>, vector<1x16xf32>,
      %get3A_383 = vector.shape_cast %get3A_382 : vector<1x16xf32> to vector<16xf32>
      %eq3A_384 = arith.constant 11 : i32
      %eq3A_385 = vector.broadcast %eq3A_384 : i32 to vector<16xi32>
      %eq3A_386 = arith.cmpi eq, %iota3A, %eq3A_385 : vector<16xi32>
      %jit3A_387 = arith.constant 0xFF800000 : f32
      %broadcast_in_dim3A_388 = vector.broadcast %jit3A_387 : f32 to vector<16xf32>
      %select_n3A_389 = arith.select %eq3A_386, %get3A_383, %broadcast_in_dim3A_388 : vector<16xi1>, vector<16xf32>
      %max3A_390 = arith.maximumf %max3A_378, %select_n3A_389 : vector<16xf32>
      %get3A_391 = arith.constant 28 : i32
      %get3A_392 = arith.index_cast %get3A_391 : i32 to index
      %get3A_393 = arith.constant 16 : index
      %get3A_394 = tpu.vector_load %arg4[%get3A_392, %get3A_393] {strides = array<i32>} : memref<128x128xf32, #tpu.memory_space<vmem>>, vector<1x16xf32>,
      %get3A_395 = vector.shape_cast %get3A_394 : vector<1x16xf32> to vector<16xf32>
      %eq3A_396 = arith.constant 12 : i32
      %eq3A_397 = vector.broadcast %eq3A_396 : i32 to vector<16xi32>
      %eq3A_398 = arith.cmpi eq, %iota3A, %eq3A_397 : vector<16xi32>
      %jit3A_399 = arith.constant 0xFF800000 : f32
      %broadcast_in_dim3A_400 = vector.broadcast %jit3A_399 : f32 to vector<16xf32>
      %select_n3A_401 = arith.select %eq3A_398, %get3A_395, %broadcast_in_dim3A_400 : vector<16xi1>, vector<16xf32>
      %max3A_402 = arith.maximumf %max3A_390, %select_n3A_401 : vector<16xf32>
      %get3A_403 = arith.constant 29 : i32
      %get3A_404 = arith.index_cast %get3A_403 : i32 to index
      %get3A_405 = arith.constant 16 : index
      %get3A_406 = tpu.vector_load %arg4[%get3A_404, %get3A_405] {strides = array<i32>} : memref<128x128xf32, #tpu.memory_space<vmem>>, vector<1x16xf32>,
      %get3A_407 = vector.shape_cast %get3A_406 : vector<1x16xf32> to vector<16xf32>
      %eq3A_408 = arith.constant 13 : i32
      %eq3A_409 = vector.broadcast %eq3A_408 : i32 to vector<16xi32>
      %eq3A_410 = arith.cmpi eq, %iota3A, %eq3A_409 : vector<16xi32>
      %jit3A_411 = arith.constant 0xFF800000 : f32
      %broadcast_in_dim3A_412 = vector.broadcast %jit3A_411 : f32 to vector<16xf32>
      %select_n3A_413 = arith.select %eq3A_410, %get3A_407, %broadcast_in_dim3A_412 : vector<16xi1>, vector<16xf32>
      %max3A_414 = arith.maximumf %max3A_402, %select_n3A_413 : vector<16xf32>
      %get3A_415 = arith.constant 30 : i32
      %get3A_416 = arith.index_cast %get3A_415 : i32 to index
      %get3A_417 = arith.constant 16 : index
      %get3A_418 = tpu.vector_load %arg4[%get3A_416, %get3A_417] {strides = array<i32>} : memref<128x128xf32, #tpu.memory_space<vmem>>, vector<1x16xf32>,
      %get3A_419 = vector.shape_cast %get3A_418 : vector<1x16xf32> to vector<16xf32>
      %eq3A_420 = arith.constant 14 : i32
      %eq3A_421 = vector.broadcast %eq3A_420 : i32 to vector<16xi32>
      %eq3A_422 = arith.cmpi eq, %iota3A, %eq3A_421 : vector<16xi32>
      %jit3A_423 = arith.constant 0xFF800000 : f32
      %broadcast_in_dim3A_424 = vector.broadcast %jit3A_423 : f32 to vector<16xf32>
      %select_n3A_425 = arith.select %eq3A_422, %get3A_419, %broadcast_in_dim3A_424 : vector<16xi1>, vector<16xf32>
      %max3A_426 = arith.maximumf %max3A_414, %select_n3A_425 : vector<16xf32>
      %get3A_427 = arith.constant 31 : i32
      %get3A_428 = arith.index_cast %get3A_427 : i32 to index
      %get3A_429 = arith.constant 16 : index
      %get3A_430 = tpu.vector_load %arg4[%get3A_428, %get3A_429] {strides = array<i32>} : memref<128x128xf32, #tpu.memory_space<vmem>>, vector<1x16xf32>,
      %get3A_431 = vector.shape_cast %get3A_430 : vector<1x16xf32> to vector<16xf32>
      %eq3A_432 = arith.constant 15 : i32
      %eq3A_433 = vector.broadcast %eq3A_432 : i32 to vector<16xi32>
      %eq3A_434 = arith.cmpi eq, %iota3A, %eq3A_433 : vector<16xi32>
      %jit3A_435 = arith.constant 0xFF800000 : f32
      %broadcast_in_dim3A_436 = vector.broadcast %jit3A_435 : f32 to vector<16xf32>
      %select_n3A_437 = arith.select %eq3A_434, %get3A_431, %broadcast_in_dim3A_436 : vector<16xi1>, vector<16xf32>
      %max3A_438 = arith.maximumf %max3A_426, %select_n3A_437 : vector<16xf32>
      %get3A_439 = arith.constant 32 : i32
      %get3A_440 = arith.index_cast %get3A_439 : i32 to index
      %get3A_441 = arith.constant 32 : index
      %get3A_442 = tpu.vector_load %arg4[%get3A_440, %get3A_441] {strides = array<i32>} : memref<128x128xf32, #tpu.memory_space<vmem>>, vector<1x16xf32>,
      %get3A_443 = vector.shape_cast %get3A_442 : vector<1x16xf32> to vector<16xf32>
      %eq3A_444 = arith.constant 0 : i32
      %eq3A_445 = vector.broadcast %eq3A_444 : i32 to vector<16xi32>
      %eq3A_446 = arith.cmpi eq, %iota3A, %eq3A_445 : vector<16xi32>
      %jit3A_447 = arith.constant 0xFF800000 : f32
      %broadcast_in_dim3A_448 = vector.broadcast %jit3A_447 : f32 to vector<16xf32>
      %select_n3A_449 = arith.select %eq3A_446, %get3A_443, %broadcast_in_dim3A_448 : vector<16xi1>, vector<16xf32>
      %max3A_450 = arith.maximumf %max3A_438, %select_n3A_449 : vector<16xf32>
      %get3A_451 = arith.constant 33 : i32
      %get3A_452 = arith.index_cast %get3A_451 : i32 to index
      %get3A_453 = arith.constant 32 : index
      %get3A_454 = tpu.vector_load %arg4[%get3A_452, %get3A_453] {strides = array<i32>} : memref<128x128xf32, #tpu.memory_space<vmem>>, vector<1x16xf32>,
      %get3A_455 = vector.shape_cast %get3A_454 : vector<1x16xf32> to vector<16xf32>
      %eq3A_456 = arith.constant 1 : i32
      %eq3A_457 = vector.broadcast %eq3A_456 : i32 to vector<16xi32>
      %eq3A_458 = arith.cmpi eq, %iota3A, %eq3A_457 : vector<16xi32>
      %jit3A_459 = arith.constant 0xFF800000 : f32
      %broadcast_in_dim3A_460 = vector.broadcast %jit3A_459 : f32 to vector<16xf32>
      %select_n3A_461 = arith.select %eq3A_458, %get3A_455, %broadcast_in_dim3A_460 : vector<16xi1>, vector<16xf32>
      %max3A_462 = arith.maximumf %max3A_450, %select_n3A_461 : vector<16xf32>
      %get3A_463 = arith.constant 34 : i32
      %get3A_464 = arith.index_cast %get3A_463 : i32 to index
      %get3A_465 = arith.constant 32 : index
      %get3A_466 = tpu.vector_load %arg4[%get3A_464, %get3A_465] {strides = array<i32>} : memref<128x128xf32, #tpu.memory_space<vmem>>, vector<1x16xf32>,
      %get3A_467 = vector.shape_cast %get3A_466 : vector<1x16xf32> to vector<16xf32>
      %eq3A_468 = arith.constant 2 : i32
      %eq3A_469 = vector.broadcast %eq3A_468 : i32 to vector<16xi32>
      %eq3A_470 = arith.cmpi eq, %iota3A, %eq3A_469 : vector<16xi32>
      %jit3A_471 = arith.constant 0xFF800000 : f32
      %broadcast_in_dim3A_472 = vector.broadcast %jit3A_471 : f32 to vector<16xf32>
      %select_n3A_473 = arith.select %eq3A_470, %get3A_467, %broadcast_in_dim3A_472 : vector<16xi1>, vector<16xf32>
      %max3A_474 = arith.maximumf %max3A_462, %select_n3A_473 : vector<16xf32>
      %get3A_475 = arith.constant 35 : i32
      %get3A_476 = arith.index_cast %get3A_475 : i32 to index
      %get3A_477 = arith.constant 32 : index
      %get3A_478 = tpu.vector_load %arg4[%get3A_476, %get3A_477] {strides = array<i32>} : memref<128x128xf32, #tpu.memory_space<vmem>>, vector<1x16xf32>,
      %get3A_479 = vector.shape_cast %get3A_478 : vector<1x16xf32> to vector<16xf32>
      %eq3A_480 = arith.constant 3 : i32
      %eq3A_481 = vector.broadcast %eq3A_480 : i32 to vector<16xi32>
      %eq3A_482 = arith.cmpi eq, %iota3A, %eq3A_481 : vector<16xi32>
      %jit3A_483 = arith.constant 0xFF800000 : f32
      %broadcast_in_dim3A_484 = vector.broadcast %jit3A_483 : f32 to vector<16xf32>
      %select_n3A_485 = arith.select %eq3A_482, %get3A_479, %broadcast_in_dim3A_484 : vector<16xi1>, vector<16xf32>
      %max3A_486 = arith.maximumf %max3A_474, %select_n3A_485 : vector<16xf32>
      %get3A_487 = arith.constant 36 : i32
      %get3A_488 = arith.index_cast %get3A_487 : i32 to index
      %get3A_489 = arith.constant 32 : index
      %get3A_490 = tpu.vector_load %arg4[%get3A_488, %get3A_489] {strides = array<i32>} : memref<128x128xf32, #tpu.memory_space<vmem>>, vector<1x16xf32>,
      %get3A_491 = vector.shape_cast %get3A_490 : vector<1x16xf32> to vector<16xf32>
      %eq3A_492 = arith.constant 4 : i32
      %eq3A_493 = vector.broadcast %eq3A_492 : i32 to vector<16xi32>
      %eq3A_494 = arith.cmpi eq, %iota3A, %eq3A_493 : vector<16xi32>
      %jit3A_495 = arith.constant 0xFF800000 : f32
      %broadcast_in_dim3A_496 = vector.broadcast %jit3A_495 : f32 to vector<16xf32>
      %select_n3A_497 = arith.select %eq3A_494, %get3A_491, %broadcast_in_dim3A_496 : vector<16xi1>, vector<16xf32>
      %max3A_498 = arith.maximumf %max3A_486, %select_n3A_497 : vector<16xf32>
      %get3A_499 = arith.constant 37 : i32
      %get3A_500 = arith.index_cast %get3A_499 : i32 to index
      %get3A_501 = arith.constant 32 : index
      %get3A_502 = tpu.vector_load %arg4[%get3A_500, %get3A_501] {strides = array<i32>} : memref<128x128xf32, #tpu.memory_space<vmem>>, vector<1x16xf32>,
      %get3A_503 = vector.shape_cast %get3A_502 : vector<1x16xf32> to vector<16xf32>
      %eq3A_504 = arith.constant 5 : i32
      %eq3A_505 = vector.broadcast %eq3A_504 : i32 to vector<16xi32>
      %eq3A_506 = arith.cmpi eq, %iota3A, %eq3A_505 : vector<16xi32>
      %jit3A_507 = arith.constant 0xFF800000 : f32
      %broadcast_in_dim3A_508 = vector.broadcast %jit3A_507 : f32 to vector<16xf32>
      %select_n3A_509 = arith.select %eq3A_506, %get3A_503, %broadcast_in_dim3A_508 : vector<16xi1>, vector<16xf32>
      %max3A_510 = arith.maximumf %max3A_498, %select_n3A_509 : vector<16xf32>
      %get3A_511 = arith.constant 38 : i32
      %get3A_512 = arith.index_cast %get3A_511 : i32 to index
      %get3A_513 = arith.constant 32 : index
      %get3A_514 = tpu.vector_load %arg4[%get3A_512, %get3A_513] {strides = array<i32>} : memref<128x128xf32, #tpu.memory_space<vmem>>, vector<1x16xf32>,
      %get3A_515 = vector.shape_cast %get3A_514 : vector<1x16xf32> to vector<16xf32>
      %eq3A_516 = arith.constant 6 : i32
      %eq3A_517 = vector.broadcast %eq3A_516 : i32 to vector<16xi32>
      %eq3A_518 = arith.cmpi eq, %iota3A, %eq3A_517 : vector<16xi32>
      %jit3A_519 = arith.constant 0xFF800000 : f32
      %broadcast_in_dim3A_520 = vector.broadcast %jit3A_519 : f32 to vector<16xf32>
      %select_n3A_521 = arith.select %eq3A_518, %get3A_515, %broadcast_in_dim3A_520 : vector<16xi1>, vector<16xf32>
      %max3A_522 = arith.maximumf %max3A_510, %select_n3A_521 : vector<16xf32>
      %get3A_523 = arith.constant 39 : i32
      %get3A_524 = arith.index_cast %get3A_523 : i32 to index
      %get3A_525 = arith.constant 32 : index
      %get3A_526 = tpu.vector_load %arg4[%get3A_524, %get3A_525] {strides = array<i32>} : memref<128x128xf32, #tpu.memory_space<vmem>>, vector<1x16xf32>,
      %get3A_527 = vector.shape_cast %get3A_526 : vector<1x16xf32> to vector<16xf32>
      %eq3A_528 = arith.constant 7 : i32
      %eq3A_529 = vector.broadcast %eq3A_528 : i32 to vector<16xi32>
      %eq3A_530 = arith.cmpi eq, %iota3A, %eq3A_529 : vector<16xi32>
      %jit3A_531 = arith.constant 0xFF800000 : f32
      %broadcast_in_dim3A_532 = vector.broadcast %jit3A_531 : f32 to vector<16xf32>
      %select_n3A_533 = arith.select %eq3A_530, %get3A_527, %broadcast_in_dim3A_532 : vector<16xi1>, vector<16xf32>
      %max3A_534 = arith.maximumf %max3A_522, %select_n3A_533 : vector<16xf32>
      %get3A_535 = arith.constant 40 : i32
      %get3A_536 = arith.index_cast %get3A_535 : i32 to index
      %get3A_537 = arith.constant 32 : index
      %get3A_538 = tpu.vector_load %arg4[%get3A_536, %get3A_537] {strides = array<i32>} : memref<128x128xf32, #tpu.memory_space<vmem>>, vector<1x16xf32>,
      %get3A_539 = vector.shape_cast %get3A_538 : vector<1x16xf32> to vector<16xf32>
      %eq3A_540 = arith.constant 8 : i32
      %eq3A_541 = vector.broadcast %eq3A_540 : i32 to vector<16xi32>
      %eq3A_542 = arith.cmpi eq, %iota3A, %eq3A_541 : vector<16xi32>
      %jit3A_543 = arith.constant 0xFF800000 : f32
      %broadcast_in_dim3A_544 = vector.broadcast %jit3A_543 : f32 to vector<16xf32>
      %select_n3A_545 = arith.select %eq3A_542, %get3A_539, %broadcast_in_dim3A_544 : vector<16xi1>, vector<16xf32>
      %max3A_546 = arith.maximumf %max3A_534, %select_n3A_545 : vector<16xf32>
      %get3A_547 = arith.constant 41 : i32
      %get3A_548 = arith.index_cast %get3A_547 : i32 to index
      %get3A_549 = arith.constant 32 : index
      %get3A_550 = tpu.vector_load %arg4[%get3A_548, %get3A_549] {strides = array<i32>} : memref<128x128xf32, #tpu.memory_space<vmem>>, vector<1x16xf32>,
      %get3A_551 = vector.shape_cast %get3A_550 : vector<1x16xf32> to vector<16xf32>
      %eq3A_552 = arith.constant 9 : i32
      %eq3A_553 = vector.broadcast %eq3A_552 : i32 to vector<16xi32>
      %eq3A_554 = arith.cmpi eq, %iota3A, %eq3A_553 : vector<16xi32>
      %jit3A_555 = arith.constant 0xFF800000 : f32
      %broadcast_in_dim3A_556 = vector.broadcast %jit3A_555 : f32 to vector<16xf32>
      %select_n3A_557 = arith.select %eq3A_554, %get3A_551, %broadcast_in_dim3A_556 : vector<16xi1>, vector<16xf32>
      %max3A_558 = arith.maximumf %max3A_546, %select_n3A_557 : vector<16xf32>
      %get3A_559 = arith.constant 42 : i32
      %get3A_560 = arith.index_cast %get3A_559 : i32 to index
      %get3A_561 = arith.constant 32 : index
      %get3A_562 = tpu.vector_load %arg4[%get3A_560, %get3A_561] {strides = array<i32>} : memref<128x128xf32, #tpu.memory_space<vmem>>, vector<1x16xf32>,
      %get3A_563 = vector.shape_cast %get3A_562 : vector<1x16xf32> to vector<16xf32>
      %eq3A_564 = arith.constant 10 : i32
      %eq3A_565 = vector.broadcast %eq3A_564 : i32 to vector<16xi32>
      %eq3A_566 = arith.cmpi eq, %iota3A, %eq3A_565 : vector<16xi32>
      %jit3A_567 = arith.constant 0xFF800000 : f32
      %broadcast_in_dim3A_568 = vector.broadcast %jit3A_567 : f32 to vector<16xf32>
      %select_n3A_569 = arith.select %eq3A_566, %get3A_563, %broadcast_in_dim3A_568 : vector<16xi1>, vector<16xf32>
      %max3A_570 = arith.maximumf %max3A_558, %select_n3A_569 : vector<16xf32>
      %get3A_571 = arith.constant 43 : i32
      %get3A_572 = arith.index_cast %get3A_571 : i32 to index
      %get3A_573 = arith.constant 32 : index
      %get3A_574 = tpu.vector_load %arg4[%get3A_572, %get3A_573] {strides = array<i32>} : memref<128x128xf32, #tpu.memory_space<vmem>>, vector<1x16xf32>,
      %get3A_575 = vector.shape_cast %get3A_574 : vector<1x16xf32> to vector<16xf32>
      %eq3A_576 = arith.constant 11 : i32
      %eq3A_577 = vector.broadcast %eq3A_576 : i32 to vector<16xi32>
      %eq3A_578 = arith.cmpi eq, %iota3A, %eq3A_577 : vector<16xi32>
      %jit3A_579 = arith.constant 0xFF800000 : f32
      %broadcast_in_dim3A_580 = vector.broadcast %jit3A_579 : f32 to vector<16xf32>
      %select_n3A_581 = arith.select %eq3A_578, %get3A_575, %broadcast_in_dim3A_580 : vector<16xi1>, vector<16xf32>
      %max3A_582 = arith.maximumf %max3A_570, %select_n3A_581 : vector<16xf32>
      %get3A_583 = arith.constant 44 : i32
      %get3A_584 = arith.index_cast %get3A_583 : i32 to index
      %get3A_585 = arith.constant 32 : index
      %get3A_586 = tpu.vector_load %arg4[%get3A_584, %get3A_585] {strides = array<i32>} : memref<128x128xf32, #tpu.memory_space<vmem>>, vector<1x16xf32>,
      %get3A_587 = vector.shape_cast %get3A_586 : vector<1x16xf32> to vector<16xf32>
      %eq3A_588 = arith.constant 12 : i32
      %eq3A_589 = vector.broadcast %eq3A_588 : i32 to vector<16xi32>
      %eq3A_590 = arith.cmpi eq, %iota3A, %eq3A_589 : vector<16xi32>
      %jit3A_591 = arith.constant 0xFF800000 : f32
      %broadcast_in_dim3A_592 = vector.broadcast %jit3A_591 : f32 to vector<16xf32>
      %select_n3A_593 = arith.select %eq3A_590, %get3A_587, %broadcast_in_dim3A_592 : vector<16xi1>, vector<16xf32>
      %max3A_594 = arith.maximumf %max3A_582, %select_n3A_593 : vector<16xf32>
      %get3A_595 = arith.constant 45 : i32
      %get3A_596 = arith.index_cast %get3A_595 : i32 to index
      %get3A_597 = arith.constant 32 : index
      %get3A_598 = tpu.vector_load %arg4[%get3A_596, %get3A_597] {strides = array<i32>} : memref<128x128xf32, #tpu.memory_space<vmem>>, vector<1x16xf32>,
      %get3A_599 = vector.shape_cast %get3A_598 : vector<1x16xf32> to vector<16xf32>
      %eq3A_600 = arith.constant 13 : i32
      %eq3A_601 = vector.broadcast %eq3A_600 : i32 to vector<16xi32>
      %eq3A_602 = arith.cmpi eq, %iota3A, %eq3A_601 : vector<16xi32>
      %jit3A_603 = arith.constant 0xFF800000 : f32
      %broadcast_in_dim3A_604 = vector.broadcast %jit3A_603 : f32 to vector<16xf32>
      %select_n3A_605 = arith.select %eq3A_602, %get3A_599, %broadcast_in_dim3A_604 : vector<16xi1>, vector<16xf32>
      %max3A_606 = arith.maximumf %max3A_594, %select_n3A_605 : vector<16xf32>
      %get3A_607 = arith.constant 46 : i32
      %get3A_608 = arith.index_cast %get3A_607 : i32 to index
      %get3A_609 = arith.constant 32 : index
      %get3A_610 = tpu.vector_load %arg4[%get3A_608, %get3A_609] {strides = array<i32>} : memref<128x128xf32, #tpu.memory_space<vmem>>, vector<1x16xf32>,
      %get3A_611 = vector.shape_cast %get3A_610 : vector<1x16xf32> to vector<16xf32>
      %eq3A_612 = arith.constant 14 : i32
      %eq3A_613 = vector.broadcast %eq3A_612 : i32 to vector<16xi32>
      %eq3A_614 = arith.cmpi eq, %iota3A, %eq3A_613 : vector<16xi32>
      %jit3A_615 = arith.constant 0xFF800000 : f32
      %broadcast_in_dim3A_616 = vector.broadcast %jit3A_615 : f32 to vector<16xf32>
      %select_n3A_617 = arith.select %eq3A_614, %get3A_611, %broadcast_in_dim3A_616 : vector<16xi1>, vector<16xf32>
      %max3A_618 = arith.maximumf %max3A_606, %select_n3A_617 : vector<16xf32>
      %get3A_619 = arith.constant 47 : i32
      %get3A_620 = arith.index_cast %get3A_619 : i32 to index
      %get3A_621 = arith.constant 32 : index
      %get3A_622 = tpu.vector_load %arg4[%get3A_620, %get3A_621] {strides = array<i32>} : memref<128x128xf32, #tpu.memory_space<vmem>>, vector<1x16xf32>,
      %get3A_623 = vector.shape_cast %get3A_622 : vector<1x16xf32> to vector<16xf32>
      %eq3A_624 = arith.constant 15 : i32
      %eq3A_625 = vector.broadcast %eq3A_624 : i32 to vector<16xi32>
      %eq3A_626 = arith.cmpi eq, %iota3A, %eq3A_625 : vector<16xi32>
      %jit3A_627 = arith.constant 0xFF800000 : f32
      %broadcast_in_dim3A_628 = vector.broadcast %jit3A_627 : f32 to vector<16xf32>
      %select_n3A_629 = arith.select %eq3A_626, %get3A_623, %broadcast_in_dim3A_628 : vector<16xi1>, vector<16xf32>
      %max3A_630 = arith.maximumf %max3A_618, %select_n3A_629 : vector<16xf32>
      %get3A_631 = arith.constant 48 : i32
      %get3A_632 = arith.index_cast %get3A_631 : i32 to index
      %get3A_633 = arith.constant 48 : index
      %get3A_634 = tpu.vector_load %arg4[%get3A_632, %get3A_633] {strides = array<i32>} : memref<128x128xf32, #tpu.memory_space<vmem>>, vector<1x16xf32>,
      %get3A_635 = vector.shape_cast %get3A_634 : vector<1x16xf32> to vector<16xf32>
      %eq3A_636 = arith.constant 0 : i32
      %eq3A_637 = vector.broadcast %eq3A_636 : i32 to vector<16xi32>
      %eq3A_638 = arith.cmpi eq, %iota3A, %eq3A_637 : vector<16xi32>
      %jit3A_639 = arith.constant 0xFF800000 : f32
      %broadcast_in_dim3A_640 = vector.broadcast %jit3A_639 : f32 to vector<16xf32>
      %select_n3A_641 = arith.select %eq3A_638, %get3A_635, %broadcast_in_dim3A_640 : vector<16xi1>, vector<16xf32>
      %max3A_642 = arith.maximumf %max3A_630, %select_n3A_641 : vector<16xf32>
      %get3A_643 = arith.constant 49 : i32
      %get3A_644 = arith.index_cast %get3A_643 : i32 to index
      %get3A_645 = arith.constant 48 : index
      %get3A_646 = tpu.vector_load %arg4[%get3A_644, %get3A_645] {strides = array<i32>} : memref<128x128xf32, #tpu.memory_space<vmem>>, vector<1x16xf32>,
      %get3A_647 = vector.shape_cast %get3A_646 : vector<1x16xf32> to vector<16xf32>
      %eq3A_648 = arith.constant 1 : i32
      %eq3A_649 = vector.broadcast %eq3A_648 : i32 to vector<16xi32>
      %eq3A_650 = arith.cmpi eq, %iota3A, %eq3A_649 : vector<16xi32>
      %jit3A_651 = arith.constant 0xFF800000 : f32
      %broadcast_in_dim3A_652 = vector.broadcast %jit3A_651 : f32 to vector<16xf32>
      %select_n3A_653 = arith.select %eq3A_650, %get3A_647, %broadcast_in_dim3A_652 : vector<16xi1>, vector<16xf32>
      %max3A_654 = arith.maximumf %max3A_642, %select_n3A_653 : vector<16xf32>
      %get3A_655 = arith.constant 50 : i32
      %get3A_656 = arith.index_cast %get3A_655 : i32 to index
      %get3A_657 = arith.constant 48 : index
      %get3A_658 = tpu.vector_load %arg4[%get3A_656, %get3A_657] {strides = array<i32>} : memref<128x128xf32, #tpu.memory_space<vmem>>, vector<1x16xf32>,
      %get3A_659 = vector.shape_cast %get3A_658 : vector<1x16xf32> to vector<16xf32>
      %eq3A_660 = arith.constant 2 : i32
      %eq3A_661 = vector.broadcast %eq3A_660 : i32 to vector<16xi32>
      %eq3A_662 = arith.cmpi eq, %iota3A, %eq3A_661 : vector<16xi32>
      %jit3A_663 = arith.constant 0xFF800000 : f32
      %broadcast_in_dim3A_664 = vector.broadcast %jit3A_663 : f32 to vector<16xf32>
      %select_n3A_665 = arith.select %eq3A_662, %get3A_659, %broadcast_in_dim3A_664 : vector<16xi1>, vector<16xf32>
      %max3A_666 = arith.maximumf %max3A_654, %select_n3A_665 : vector<16xf32>
      %get3A_667 = arith.constant 51 : i32
      %get3A_668 = arith.index_cast %get3A_667 : i32 to index
      %get3A_669 = arith.constant 48 : index
      %get3A_670 = tpu.vector_load %arg4[%get3A_668, %get3A_669] {strides = array<i32>} : memref<128x128xf32, #tpu.memory_space<vmem>>, vector<1x16xf32>,
      %get3A_671 = vector.shape_cast %get3A_670 : vector<1x16xf32> to vector<16xf32>
      %eq3A_672 = arith.constant 3 : i32
      %eq3A_673 = vector.broadcast %eq3A_672 : i32 to vector<16xi32>
      %eq3A_674 = arith.cmpi eq, %iota3A, %eq3A_673 : vector<16xi32>
      %jit3A_675 = arith.constant 0xFF800000 : f32
      %broadcast_in_dim3A_676 = vector.broadcast %jit3A_675 : f32 to vector<16xf32>
      %select_n3A_677 = arith.select %eq3A_674, %get3A_671, %broadcast_in_dim3A_676 : vector<16xi1>, vector<16xf32>
      %max3A_678 = arith.maximumf %max3A_666, %select_n3A_677 : vector<16xf32>
      %get3A_679 = arith.constant 52 : i32
      %get3A_680 = arith.index_cast %get3A_679 : i32 to index
      %get3A_681 = arith.constant 48 : index
      %get3A_682 = tpu.vector_load %arg4[%get3A_680, %get3A_681] {strides = array<i32>} : memref<128x128xf32, #tpu.memory_space<vmem>>, vector<1x16xf32>,
      %get3A_683 = vector.shape_cast %get3A_682 : vector<1x16xf32> to vector<16xf32>
      %eq3A_684 = arith.constant 4 : i32
      %eq3A_685 = vector.broadcast %eq3A_684 : i32 to vector<16xi32>
      %eq3A_686 = arith.cmpi eq, %iota3A, %eq3A_685 : vector<16xi32>
      %jit3A_687 = arith.constant 0xFF800000 : f32
      %broadcast_in_dim3A_688 = vector.broadcast %jit3A_687 : f32 to vector<16xf32>
      %select_n3A_689 = arith.select %eq3A_686, %get3A_683, %broadcast_in_dim3A_688 : vector<16xi1>, vector<16xf32>
      %max3A_690 = arith.maximumf %max3A_678, %select_n3A_689 : vector<16xf32>
      %get3A_691 = arith.constant 53 : i32
      %get3A_692 = arith.index_cast %get3A_691 : i32 to index
      %get3A_693 = arith.constant 48 : index
      %get3A_694 = tpu.vector_load %arg4[%get3A_692, %get3A_693] {strides = array<i32>} : memref<128x128xf32, #tpu.memory_space<vmem>>, vector<1x16xf32>,
      %get3A_695 = vector.shape_cast %get3A_694 : vector<1x16xf32> to vector<16xf32>
      %eq3A_696 = arith.constant 5 : i32
      %eq3A_697 = vector.broadcast %eq3A_696 : i32 to vector<16xi32>
      %eq3A_698 = arith.cmpi eq, %iota3A, %eq3A_697 : vector<16xi32>
      %jit3A_699 = arith.constant 0xFF800000 : f32
      %broadcast_in_dim3A_700 = vector.broadcast %jit3A_699 : f32 to vector<16xf32>
      %select_n3A_701 = arith.select %eq3A_698, %get3A_695, %broadcast_in_dim3A_700 : vector<16xi1>, vector<16xf32>
      %max3A_702 = arith.maximumf %max3A_690, %select_n3A_701 : vector<16xf32>
      %get3A_703 = arith.constant 54 : i32
      %get3A_704 = arith.index_cast %get3A_703 : i32 to index
      %get3A_705 = arith.constant 48 : index
      %get3A_706 = tpu.vector_load %arg4[%get3A_704, %get3A_705] {strides = array<i32>} : memref<128x128xf32, #tpu.memory_space<vmem>>, vector<1x16xf32>,
      %get3A_707 = vector.shape_cast %get3A_706 : vector<1x16xf32> to vector<16xf32>
      %eq3A_708 = arith.constant 6 : i32
      %eq3A_709 = vector.broadcast %eq3A_708 : i32 to vector<16xi32>
      %eq3A_710 = arith.cmpi eq, %iota3A, %eq3A_709 : vector<16xi32>
      %jit3A_711 = arith.constant 0xFF800000 : f32
      %broadcast_in_dim3A_712 = vector.broadcast %jit3A_711 : f32 to vector<16xf32>
      %select_n3A_713 = arith.select %eq3A_710, %get3A_707, %broadcast_in_dim3A_712 : vector<16xi1>, vector<16xf32>
      %max3A_714 = arith.maximumf %max3A_702, %select_n3A_713 : vector<16xf32>
      %get3A_715 = arith.constant 55 : i32
      %get3A_716 = arith.index_cast %get3A_715 : i32 to index
      %get3A_717 = arith.constant 48 : index
      %get3A_718 = tpu.vector_load %arg4[%get3A_716, %get3A_717] {strides = array<i32>} : memref<128x128xf32, #tpu.memory_space<vmem>>, vector<1x16xf32>,
      %get3A_719 = vector.shape_cast %get3A_718 : vector<1x16xf32> to vector<16xf32>
      %eq3A_720 = arith.constant 7 : i32
      %eq3A_721 = vector.broadcast %eq3A_720 : i32 to vector<16xi32>
      %eq3A_722 = arith.cmpi eq, %iota3A, %eq3A_721 : vector<16xi32>
      %jit3A_723 = arith.constant 0xFF800000 : f32
      %broadcast_in_dim3A_724 = vector.broadcast %jit3A_723 : f32 to vector<16xf32>
      %select_n3A_725 = arith.select %eq3A_722, %get3A_719, %broadcast_in_dim3A_724 : vector<16xi1>, vector<16xf32>
      %max3A_726 = arith.maximumf %max3A_714, %select_n3A_725 : vector<16xf32>
      %get3A_727 = arith.constant 56 : i32
      %get3A_728 = arith.index_cast %get3A_727 : i32 to index
      %get3A_729 = arith.constant 48 : index
      %get3A_730 = tpu.vector_load %arg4[%get3A_728, %get3A_729] {strides = array<i32>} : memref<128x128xf32, #tpu.memory_space<vmem>>, vector<1x16xf32>,
      %get3A_731 = vector.shape_cast %get3A_730 : vector<1x16xf32> to vector<16xf32>
      %eq3A_732 = arith.constant 8 : i32
      %eq3A_733 = vector.broadcast %eq3A_732 : i32 to vector<16xi32>
      %eq3A_734 = arith.cmpi eq, %iota3A, %eq3A_733 : vector<16xi32>
      %jit3A_735 = arith.constant 0xFF800000 : f32
      %broadcast_in_dim3A_736 = vector.broadcast %jit3A_735 : f32 to vector<16xf32>
      %select_n3A_737 = arith.select %eq3A_734, %get3A_731, %broadcast_in_dim3A_736 : vector<16xi1>, vector<16xf32>
      %max3A_738 = arith.maximumf %max3A_726, %select_n3A_737 : vector<16xf32>
      %get3A_739 = arith.constant 57 : i32
      %get3A_740 = arith.index_cast %get3A_739 : i32 to index
      %get3A_741 = arith.constant 48 : index
      %get3A_742 = tpu.vector_load %arg4[%get3A_740, %get3A_741] {strides = array<i32>} : memref<128x128xf32, #tpu.memory_space<vmem>>, vector<1x16xf32>,
      %get3A_743 = vector.shape_cast %get3A_742 : vector<1x16xf32> to vector<16xf32>
      %eq3A_744 = arith.constant 9 : i32
      %eq3A_745 = vector.broadcast %eq3A_744 : i32 to vector<16xi32>
      %eq3A_746 = arith.cmpi eq, %iota3A, %eq3A_745 : vector<16xi32>
      %jit3A_747 = arith.constant 0xFF800000 : f32
      %broadcast_in_dim3A_748 = vector.broadcast %jit3A_747 : f32 to vector<16xf32>
      %select_n3A_749 = arith.select %eq3A_746, %get3A_743, %broadcast_in_dim3A_748 : vector<16xi1>, vector<16xf32>
      %max3A_750 = arith.maximumf %max3A_738, %select_n3A_749 : vector<16xf32>
      %get3A_751 = arith.constant 58 : i32
      %get3A_752 = arith.index_cast %get3A_751 : i32 to index
      %get3A_753 = arith.constant 48 : index
      %get3A_754 = tpu.vector_load %arg4[%get3A_752, %get3A_753] {strides = array<i32>} : memref<128x128xf32, #tpu.memory_space<vmem>>, vector<1x16xf32>,
      %get3A_755 = vector.shape_cast %get3A_754 : vector<1x16xf32> to vector<16xf32>
      %eq3A_756 = arith.constant 10 : i32
      %eq3A_757 = vector.broadcast %eq3A_756 : i32 to vector<16xi32>
      %eq3A_758 = arith.cmpi eq, %iota3A, %eq3A_757 : vector<16xi32>
      %jit3A_759 = arith.constant 0xFF800000 : f32
      %broadcast_in_dim3A_760 = vector.broadcast %jit3A_759 : f32 to vector<16xf32>
      %select_n3A_761 = arith.select %eq3A_758, %get3A_755, %broadcast_in_dim3A_760 : vector<16xi1>, vector<16xf32>
      %max3A_762 = arith.maximumf %max3A_750, %select_n3A_761 : vector<16xf32>
      %get3A_763 = arith.constant 59 : i32
      %get3A_764 = arith.index_cast %get3A_763 : i32 to index
      %get3A_765 = arith.constant 48 : index
      %get3A_766 = tpu.vector_load %arg4[%get3A_764, %get3A_765] {strides = array<i32>} : memref<128x128xf32, #tpu.memory_space<vmem>>, vector<1x16xf32>,
      %get3A_767 = vector.shape_cast %get3A_766 : vector<1x16xf32> to vector<16xf32>
      %eq3A_768 = arith.constant 11 : i32
      %eq3A_769 = vector.broadcast %eq3A_768 : i32 to vector<16xi32>
      %eq3A_770 = arith.cmpi eq, %iota3A, %eq3A_769 : vector<16xi32>
      %jit3A_771 = arith.constant 0xFF800000 : f32
      %broadcast_in_dim3A_772 = vector.broadcast %jit3A_771 : f32 to vector<16xf32>
      %select_n3A_773 = arith.select %eq3A_770, %get3A_767, %broadcast_in_dim3A_772 : vector<16xi1>, vector<16xf32>
      %max3A_774 = arith.maximumf %max3A_762, %select_n3A_773 : vector<16xf32>
      %get3A_775 = arith.constant 60 : i32
      %get3A_776 = arith.index_cast %get3A_775 : i32 to index
      %get3A_777 = arith.constant 48 : index
      %get3A_778 = tpu.vector_load %arg4[%get3A_776, %get3A_777] {strides = array<i32>} : memref<128x128xf32, #tpu.memory_space<vmem>>, vector<1x16xf32>,
      %get3A_779 = vector.shape_cast %get3A_778 : vector<1x16xf32> to vector<16xf32>
      %eq3A_780 = arith.constant 12 : i32
      %eq3A_781 = vector.broadcast %eq3A_780 : i32 to vector<16xi32>
      %eq3A_782 = arith.cmpi eq, %iota3A, %eq3A_781 : vector<16xi32>
      %jit3A_783 = arith.constant 0xFF800000 : f32
      %broadcast_in_dim3A_784 = vector.broadcast %jit3A_783 : f32 to vector<16xf32>
      %select_n3A_785 = arith.select %eq3A_782, %get3A_779, %broadcast_in_dim3A_784 : vector<16xi1>, vector<16xf32>
      %max3A_786 = arith.maximumf %max3A_774, %select_n3A_785 : vector<16xf32>
      %get3A_787 = arith.constant 61 : i32
      %get3A_788 = arith.index_cast %get3A_787 : i32 to index
      %get3A_789 = arith.constant 48 : index
      %get3A_790 = tpu.vector_load %arg4[%get3A_788, %get3A_789] {strides = array<i32>} : memref<128x128xf32, #tpu.memory_space<vmem>>, vector<1x16xf32>,
      %get3A_791 = vector.shape_cast %get3A_790 : vector<1x16xf32> to vector<16xf32>
      %eq3A_792 = arith.constant 13 : i32
      %eq3A_793 = vector.broadcast %eq3A_792 : i32 to vector<16xi32>
      %eq3A_794 = arith.cmpi eq, %iota3A, %eq3A_793 : vector<16xi32>
      %jit3A_795 = arith.constant 0xFF800000 : f32
      %broadcast_in_dim3A_796 = vector.broadcast %jit3A_795 : f32 to vector<16xf32>
      %select_n3A_797 = arith.select %eq3A_794, %get3A_791, %broadcast_in_dim3A_796 : vector<16xi1>, vector<16xf32>
      %max3A_798 = arith.maximumf %max3A_786, %select_n3A_797 : vector<16xf32>
      %get3A_799 = arith.constant 62 : i32
      %get3A_800 = arith.index_cast %get3A_799 : i32 to index
      %get3A_801 = arith.constant 48 : index
      %get3A_802 = tpu.vector_load %arg4[%get3A_800, %get3A_801] {strides = array<i32>} : memref<128x128xf32, #tpu.memory_space<vmem>>, vector<1x16xf32>,
      %get3A_803 = vector.shape_cast %get3A_802 : vector<1x16xf32> to vector<16xf32>
      %eq3A_804 = arith.constant 14 : i32
      %eq3A_805 = vector.broadcast %eq3A_804 : i32 to vector<16xi32>
      %eq3A_806 = arith.cmpi eq, %iota3A, %eq3A_805 : vector<16xi32>
      %jit3A_807 = arith.constant 0xFF800000 : f32
      %broadcast_in_dim3A_808 = vector.broadcast %jit3A_807 : f32 to vector<16xf32>
      %select_n3A_809 = arith.select %eq3A_806, %get3A_803, %broadcast_in_dim3A_808 : vector<16xi1>, vector<16xf32>
      %max3A_810 = arith.maximumf %max3A_798, %select_n3A_809 : vector<16xf32>
      %get3A_811 = arith.constant 63 : i32
      %get3A_812 = arith.index_cast %get3A_811 : i32 to index
      %get3A_813 = arith.constant 48 : index
      %get3A_814 = tpu.vector_load %arg4[%get3A_812, %get3A_813] {strides = array<i32>} : memref<128x128xf32, #tpu.memory_space<vmem>>, vector<1x16xf32>,
      %get3A_815 = vector.shape_cast %get3A_814 : vector<1x16xf32> to vector<16xf32>
      %eq3A_816 = arith.constant 15 : i32
      %eq3A_817 = vector.broadcast %eq3A_816 : i32 to vector<16xi32>
      %eq3A_818 = arith.cmpi eq, %iota3A, %eq3A_817 : vector<16xi32>
      %jit3A_819 = arith.constant 0xFF800000 : f32
      %broadcast_in_dim3A_820 = vector.broadcast %jit3A_819 : f32 to vector<16xf32>
      %select_n3A_821 = arith.select %eq3A_818, %get3A_815, %broadcast_in_dim3A_820 : vector<16xi1>, vector<16xf32>
      %max3A_822 = arith.maximumf %max3A_810, %select_n3A_821 : vector<16xf32>
      %get3A_823 = arith.constant 64 : i32
      %get3A_824 = arith.index_cast %get3A_823 : i32 to index
      %get3A_825 = arith.constant 64 : index
      %get3A_826 = tpu.vector_load %arg4[%get3A_824, %get3A_825] {strides = array<i32>} : memref<128x128xf32, #tpu.memory_space<vmem>>, vector<1x16xf32>,
      %get3A_827 = vector.shape_cast %get3A_826 : vector<1x16xf32> to vector<16xf32>
      %eq3A_828 = arith.constant 0 : i32
      %eq3A_829 = vector.broadcast %eq3A_828 : i32 to vector<16xi32>
      %eq3A_830 = arith.cmpi eq, %iota3A, %eq3A_829 : vector<16xi32>
      %jit3A_831 = arith.constant 0xFF800000 : f32
      %broadcast_in_dim3A_832 = vector.broadcast %jit3A_831 : f32 to vector<16xf32>
      %select_n3A_833 = arith.select %eq3A_830, %get3A_827, %broadcast_in_dim3A_832 : vector<16xi1>, vector<16xf32>
      %max3A_834 = arith.maximumf %max3A_822, %select_n3A_833 : vector<16xf32>
      %get3A_835 = arith.constant 65 : i32
      %get3A_836 = arith.index_cast %get3A_835 : i32 to index
      %get3A_837 = arith.constant 64 : index
      %get3A_838 = tpu.vector_load %arg4[%get3A_836, %get3A_837] {strides = array<i32>} : memref<128x128xf32, #tpu.memory_space<vmem>>, vector<1x16xf32>,
      %get3A_839 = vector.shape_cast %get3A_838 : vector<1x16xf32> to vector<16xf32>
      %eq3A_840 = arith.constant 1 : i32
      %eq3A_841 = vector.broadcast %eq3A_840 : i32 to vector<16xi32>
      %eq3A_842 = arith.cmpi eq, %iota3A, %eq3A_841 : vector<16xi32>
      %jit3A_843 = arith.constant 0xFF800000 : f32
      %broadcast_in_dim3A_844 = vector.broadcast %jit3A_843 : f32 to vector<16xf32>
      %select_n3A_845 = arith.select %eq3A_842, %get3A_839, %broadcast_in_dim3A_844 : vector<16xi1>, vector<16xf32>
      %max3A_846 = arith.maximumf %max3A_834, %select_n3A_845 : vector<16xf32>
      %get3A_847 = arith.constant 66 : i32
      %get3A_848 = arith.index_cast %get3A_847 : i32 to index
      %get3A_849 = arith.constant 64 : index
      %get3A_850 = tpu.vector_load %arg4[%get3A_848, %get3A_849] {strides = array<i32>} : memref<128x128xf32, #tpu.memory_space<vmem>>, vector<1x16xf32>,
      %get3A_851 = vector.shape_cast %get3A_850 : vector<1x16xf32> to vector<16xf32>
      %eq3A_852 = arith.constant 2 : i32
      %eq3A_853 = vector.broadcast %eq3A_852 : i32 to vector<16xi32>
      %eq3A_854 = arith.cmpi eq, %iota3A, %eq3A_853 : vector<16xi32>
      %jit3A_855 = arith.constant 0xFF800000 : f32
      %broadcast_in_dim3A_856 = vector.broadcast %jit3A_855 : f32 to vector<16xf32>
      %select_n3A_857 = arith.select %eq3A_854, %get3A_851, %broadcast_in_dim3A_856 : vector<16xi1>, vector<16xf32>
      %max3A_858 = arith.maximumf %max3A_846, %select_n3A_857 : vector<16xf32>
      %get3A_859 = arith.constant 67 : i32
      %get3A_860 = arith.index_cast %get3A_859 : i32 to index
      %get3A_861 = arith.constant 64 : index
      %get3A_862 = tpu.vector_load %arg4[%get3A_860, %get3A_861] {strides = array<i32>} : memref<128x128xf32, #tpu.memory_space<vmem>>, vector<1x16xf32>,
      %get3A_863 = vector.shape_cast %get3A_862 : vector<1x16xf32> to vector<16xf32>
      %eq3A_864 = arith.constant 3 : i32
      %eq3A_865 = vector.broadcast %eq3A_864 : i32 to vector<16xi32>
      %eq3A_866 = arith.cmpi eq, %iota3A, %eq3A_865 : vector<16xi32>
      %jit3A_867 = arith.constant 0xFF800000 : f32
      %broadcast_in_dim3A_868 = vector.broadcast %jit3A_867 : f32 to vector<16xf32>
      %select_n3A_869 = arith.select %eq3A_866, %get3A_863, %broadcast_in_dim3A_868 : vector<16xi1>, vector<16xf32>
      %max3A_870 = arith.maximumf %max3A_858, %select_n3A_869 : vector<16xf32>
      %get3A_871 = arith.constant 68 : i32
      %get3A_872 = arith.index_cast %get3A_871 : i32 to index
      %get3A_873 = arith.constant 64 : index
      %get3A_874 = tpu.vector_load %arg4[%get3A_872, %get3A_873] {strides = array<i32>} : memref<128x128xf32, #tpu.memory_space<vmem>>, vector<1x16xf32>,
      %get3A_875 = vector.shape_cast %get3A_874 : vector<1x16xf32> to vector<16xf32>
      %eq3A_876 = arith.constant 4 : i32
      %eq3A_877 = vector.broadcast %eq3A_876 : i32 to vector<16xi32>
      %eq3A_878 = arith.cmpi eq, %iota3A, %eq3A_877 : vector<16xi32>
      %jit3A_879 = arith.constant 0xFF800000 : f32
      %broadcast_in_dim3A_880 = vector.broadcast %jit3A_879 : f32 to vector<16xf32>
      %select_n3A_881 = arith.select %eq3A_878, %get3A_875, %broadcast_in_dim3A_880 : vector<16xi1>, vector<16xf32>
      %max3A_882 = arith.maximumf %max3A_870, %select_n3A_881 : vector<16xf32>
      %get3A_883 = arith.constant 69 : i32
      %get3A_884 = arith.index_cast %get3A_883 : i32 to index
      %get3A_885 = arith.constant 64 : index
      %get3A_886 = tpu.vector_load %arg4[%get3A_884, %get3A_885] {strides = array<i32>} : memref<128x128xf32, #tpu.memory_space<vmem>>, vector<1x16xf32>,
      %get3A_887 = vector.shape_cast %get3A_886 : vector<1x16xf32> to vector<16xf32>
      %eq3A_888 = arith.constant 5 : i32
      %eq3A_889 = vector.broadcast %eq3A_888 : i32 to vector<16xi32>
      %eq3A_890 = arith.cmpi eq, %iota3A, %eq3A_889 : vector<16xi32>
      %jit3A_891 = arith.constant 0xFF800000 : f32
      %broadcast_in_dim3A_892 = vector.broadcast %jit3A_891 : f32 to vector<16xf32>
      %select_n3A_893 = arith.select %eq3A_890, %get3A_887, %broadcast_in_dim3A_892 : vector<16xi1>, vector<16xf32>
      %max3A_894 = arith.maximumf %max3A_882, %select_n3A_893 : vector<16xf32>
      %get3A_895 = arith.constant 70 : i32
      %get3A_896 = arith.index_cast %get3A_895 : i32 to index
      %get3A_897 = arith.constant 64 : index
      %get3A_898 = tpu.vector_load %arg4[%get3A_896, %get3A_897] {strides = array<i32>} : memref<128x128xf32, #tpu.memory_space<vmem>>, vector<1x16xf32>,
      %get3A_899 = vector.shape_cast %get3A_898 : vector<1x16xf32> to vector<16xf32>
      %eq3A_900 = arith.constant 6 : i32
      %eq3A_901 = vector.broadcast %eq3A_900 : i32 to vector<16xi32>
      %eq3A_902 = arith.cmpi eq, %iota3A, %eq3A_901 : vector<16xi32>
      %jit3A_903 = arith.constant 0xFF800000 : f32
      %broadcast_in_dim3A_904 = vector.broadcast %jit3A_903 : f32 to vector<16xf32>
      %select_n3A_905 = arith.select %eq3A_902, %get3A_899, %broadcast_in_dim3A_904 : vector<16xi1>, vector<16xf32>
      %max3A_906 = arith.maximumf %max3A_894, %select_n3A_905 : vector<16xf32>
      %get3A_907 = arith.constant 71 : i32
      %get3A_908 = arith.index_cast %get3A_907 : i32 to index
      %get3A_909 = arith.constant 64 : index
      %get3A_910 = tpu.vector_load %arg4[%get3A_908, %get3A_909] {strides = array<i32>} : memref<128x128xf32, #tpu.memory_space<vmem>>, vector<1x16xf32>,
      %get3A_911 = vector.shape_cast %get3A_910 : vector<1x16xf32> to vector<16xf32>
      %eq3A_912 = arith.constant 7 : i32
      %eq3A_913 = vector.broadcast %eq3A_912 : i32 to vector<16xi32>
      %eq3A_914 = arith.cmpi eq, %iota3A, %eq3A_913 : vector<16xi32>
      %jit3A_915 = arith.constant 0xFF800000 : f32
      %broadcast_in_dim3A_916 = vector.broadcast %jit3A_915 : f32 to vector<16xf32>
      %select_n3A_917 = arith.select %eq3A_914, %get3A_911, %broadcast_in_dim3A_916 : vector<16xi1>, vector<16xf32>
      %max3A_918 = arith.maximumf %max3A_906, %select_n3A_917 : vector<16xf32>
      %get3A_919 = arith.constant 72 : i32
      %get3A_920 = arith.index_cast %get3A_919 : i32 to index
      %get3A_921 = arith.constant 64 : index
      %get3A_922 = tpu.vector_load %arg4[%get3A_920, %get3A_921] {strides = array<i32>} : memref<128x128xf32, #tpu.memory_space<vmem>>, vector<1x16xf32>,
      %get3A_923 = vector.shape_cast %get3A_922 : vector<1x16xf32> to vector<16xf32>
      %eq3A_924 = arith.constant 8 : i32
      %eq3A_925 = vector.broadcast %eq3A_924 : i32 to vector<16xi32>
      %eq3A_926 = arith.cmpi eq, %iota3A, %eq3A_925 : vector<16xi32>
      %jit3A_927 = arith.constant 0xFF800000 : f32
      %broadcast_in_dim3A_928 = vector.broadcast %jit3A_927 : f32 to vector<16xf32>
      %select_n3A_929 = arith.select %eq3A_926, %get3A_923, %broadcast_in_dim3A_928 : vector<16xi1>, vector<16xf32>
      %max3A_930 = arith.maximumf %max3A_918, %select_n3A_929 : vector<16xf32>
      %get3A_931 = arith.constant 73 : i32
      %get3A_932 = arith.index_cast %get3A_931 : i32 to index
      %get3A_933 = arith.constant 64 : index
      %get3A_934 = tpu.vector_load %arg4[%get3A_932, %get3A_933] {strides = array<i32>} : memref<128x128xf32, #tpu.memory_space<vmem>>, vector<1x16xf32>,
      %get3A_935 = vector.shape_cast %get3A_934 : vector<1x16xf32> to vector<16xf32>
      %eq3A_936 = arith.constant 9 : i32
      %eq3A_937 = vector.broadcast %eq3A_936 : i32 to vector<16xi32>
      %eq3A_938 = arith.cmpi eq, %iota3A, %eq3A_937 : vector<16xi32>
      %jit3A_939 = arith.constant 0xFF800000 : f32
      %broadcast_in_dim3A_940 = vector.broadcast %jit3A_939 : f32 to vector<16xf32>
      %select_n3A_941 = arith.select %eq3A_938, %get3A_935, %broadcast_in_dim3A_940 : vector<16xi1>, vector<16xf32>
      %max3A_942 = arith.maximumf %max3A_930, %select_n3A_941 : vector<16xf32>
      %get3A_943 = arith.constant 74 : i32
      %get3A_944 = arith.index_cast %get3A_943 : i32 to index
      %get3A_945 = arith.constant 64 : index
      %get3A_946 = tpu.vector_load %arg4[%get3A_944, %get3A_945] {strides = array<i32>} : memref<128x128xf32, #tpu.memory_space<vmem>>, vector<1x16xf32>,
      %get3A_947 = vector.shape_cast %get3A_946 : vector<1x16xf32> to vector<16xf32>
      %eq3A_948 = arith.constant 10 : i32
      %eq3A_949 = vector.broadcast %eq3A_948 : i32 to vector<16xi32>
      %eq3A_950 = arith.cmpi eq, %iota3A, %eq3A_949 : vector<16xi32>
      %jit3A_951 = arith.constant 0xFF800000 : f32
      %broadcast_in_dim3A_952 = vector.broadcast %jit3A_951 : f32 to vector<16xf32>
      %select_n3A_953 = arith.select %eq3A_950, %get3A_947, %broadcast_in_dim3A_952 : vector<16xi1>, vector<16xf32>
      %max3A_954 = arith.maximumf %max3A_942, %select_n3A_953 : vector<16xf32>
      %get3A_955 = arith.constant 75 : i32
      %get3A_956 = arith.index_cast %get3A_955 : i32 to index
      %get3A_957 = arith.constant 64 : index
      %get3A_958 = tpu.vector_load %arg4[%get3A_956, %get3A_957] {strides = array<i32>} : memref<128x128xf32, #tpu.memory_space<vmem>>, vector<1x16xf32>,
      %get3A_959 = vector.shape_cast %get3A_958 : vector<1x16xf32> to vector<16xf32>
      %eq3A_960 = arith.constant 11 : i32
      %eq3A_961 = vector.broadcast %eq3A_960 : i32 to vector<16xi32>
      %eq3A_962 = arith.cmpi eq, %iota3A, %eq3A_961 : vector<16xi32>
      %jit3A_963 = arith.constant 0xFF800000 : f32
      %broadcast_in_dim3A_964 = vector.broadcast %jit3A_963 : f32 to vector<16xf32>
      %select_n3A_965 = arith.select %eq3A_962, %get3A_959, %broadcast_in_dim3A_964 : vector<16xi1>, vector<16xf32>
      %max3A_966 = arith.maximumf %max3A_954, %select_n3A_965 : vector<16xf32>
      %get3A_967 = arith.constant 76 : i32
      %get3A_968 = arith.index_cast %get3A_967 : i32 to index
      %get3A_969 = arith.constant 64 : index
      %get3A_970 = tpu.vector_load %arg4[%get3A_968, %get3A_969] {strides = array<i32>} : memref<128x128xf32, #tpu.memory_space<vmem>>, vector<1x16xf32>,
      %get3A_971 = vector.shape_cast %get3A_970 : vector<1x16xf32> to vector<16xf32>
      %eq3A_972 = arith.constant 12 : i32
      %eq3A_973 = vector.broadcast %eq3A_972 : i32 to vector<16xi32>
      %eq3A_974 = arith.cmpi eq, %iota3A, %eq3A_973 : vector<16xi32>
      %jit3A_975 = arith.constant 0xFF800000 : f32
      %broadcast_in_dim3A_976 = vector.broadcast %jit3A_975 : f32 to vector<16xf32>
      %select_n3A_977 = arith.select %eq3A_974, %get3A_971, %broadcast_in_dim3A_976 : vector<16xi1>, vector<16xf32>
      %max3A_978 = arith.maximumf %max3A_966, %select_n3A_977 : vector<16xf32>
      %get3A_979 = arith.constant 77 : i32
      %get3A_980 = arith.index_cast %get3A_979 : i32 to index
      %get3A_981 = arith.constant 64 : index
      %get3A_982 = tpu.vector_load %arg4[%get3A_980, %get3A_981] {strides = array<i32>} : memref<128x128xf32, #tpu.memory_space<vmem>>, vector<1x16xf32>,
      %get3A_983 = vector.shape_cast %get3A_982 : vector<1x16xf32> to vector<16xf32>
      %eq3A_984 = arith.constant 13 : i32
      %eq3A_985 = vector.broadcast %eq3A_984 : i32 to vector<16xi32>
      %eq3A_986 = arith.cmpi eq, %iota3A, %eq3A_985 : vector<16xi32>
      %jit3A_987 = arith.constant 0xFF800000 : f32
      %broadcast_in_dim3A_988 = vector.broadcast %jit3A_987 : f32 to vector<16xf32>
      %select_n3A_989 = arith.select %eq3A_986, %get3A_983, %broadcast_in_dim3A_988 : vector<16xi1>, vector<16xf32>
      %max3A_990 = arith.maximumf %max3A_978, %select_n3A_989 : vector<16xf32>
      %get3A_991 = arith.constant 78 : i32
      %get3A_992 = arith.index_cast %get3A_991 : i32 to index
      %get3A_993 = arith.constant 64 : index
      %get3A_994 = tpu.vector_load %arg4[%get3A_992, %get3A_993] {strides = array<i32>} : memref<128x128xf32, #tpu.memory_space<vmem>>, vector<1x16xf32>,
      %get3A_995 = vector.shape_cast %get3A_994 : vector<1x16xf32> to vector<16xf32>
      %eq3A_996 = arith.constant 14 : i32
      %eq3A_997 = vector.broadcast %eq3A_996 : i32 to vector<16xi32>
      %eq3A_998 = arith.cmpi eq, %iota3A, %eq3A_997 : vector<16xi32>
      %jit3A_999 = arith.constant 0xFF800000 : f32
      %broadcast_in_dim3A_1000 = vector.broadcast %jit3A_999 : f32 to vector<16xf32>
      %select_n3A_1001 = arith.select %eq3A_998, %get3A_995, %broadcast_in_dim3A_1000 : vector<16xi1>, vector<16xf32>
      %max3A_1002 = arith.maximumf %max3A_990, %select_n3A_1001 : vector<16xf32>
      %get3A_1003 = arith.constant 79 : i32
      %get3A_1004 = arith.index_cast %get3A_1003 : i32 to index
      %get3A_1005 = arith.constant 64 : index
      %get3A_1006 = tpu.vector_load %arg4[%get3A_1004, %get3A_1005] {strides = array<i32>} : memref<128x128xf32, #tpu.memory_space<vmem>>, vector<1x16xf32>,
      %get3A_1007 = vector.shape_cast %get3A_1006 : vector<1x16xf32> to vector<16xf32>
      %eq3A_1008 = arith.constant 15 : i32
      %eq3A_1009 = vector.broadcast %eq3A_1008 : i32 to vector<16xi32>
      %eq3A_1010 = arith.cmpi eq, %iota3A, %eq3A_1009 : vector<16xi32>
      %jit3A_1011 = arith.constant 0xFF800000 : f32
      %broadcast_in_dim3A_1012 = vector.broadcast %jit3A_1011 : f32 to vector<16xf32>
      %select_n3A_1013 = arith.select %eq3A_1010, %get3A_1007, %broadcast_in_dim3A_1012 : vector<16xi1>, vector<16xf32>
      %max3A_1014 = arith.maximumf %max3A_1002, %select_n3A_1013 : vector<16xf32>
      %get3A_1015 = arith.constant 80 : i32
      %get3A_1016 = arith.index_cast %get3A_1015 : i32 to index
      %get3A_1017 = arith.constant 80 : index
      %get3A_1018 = tpu.vector_load %arg4[%get3A_1016, %get3A_1017] {strides = array<i32>} : memref<128x128xf32, #tpu.memory_space<vmem>>, vector<1x16xf32>,
      %get3A_1019 = vector.shape_cast %get3A_1018 : vector<1x16xf32> to vector<16xf32>
      %eq3A_1020 = arith.constant 0 : i32
      %eq3A_1021 = vector.broadcast %eq3A_1020 : i32 to vector<16xi32>
      %eq3A_1022 = arith.cmpi eq, %iota3A, %eq3A_1021 : vector<16xi32>
      %jit3A_1023 = arith.constant 0xFF800000 : f32
      %broadcast_in_dim3A_1024 = vector.broadcast %jit3A_1023 : f32 to vector<16xf32>
      %select_n3A_1025 = arith.select %eq3A_1022, %get3A_1019, %broadcast_in_dim3A_1024 : vector<16xi1>, vector<16xf32>
      %max3A_1026 = arith.maximumf %max3A_1014, %select_n3A_1025 : vector<16xf32>
      %get3A_1027 = arith.constant 81 : i32
      %get3A_1028 = arith.index_cast %get3A_1027 : i32 to index
      %get3A_1029 = arith.constant 80 : index
      %get3A_1030 = tpu.vector_load %arg4[%get3A_1028, %get3A_1029] {strides = array<i32>} : memref<128x128xf32, #tpu.memory_space<vmem>>, vector<1x16xf32>,
      %get3A_1031 = vector.shape_cast %get3A_1030 : vector<1x16xf32> to vector<16xf32>
      %eq3A_1032 = arith.constant 1 : i32
      %eq3A_1033 = vector.broadcast %eq3A_1032 : i32 to vector<16xi32>
      %eq3A_1034 = arith.cmpi eq, %iota3A, %eq3A_1033 : vector<16xi32>
      %jit3A_1035 = arith.constant 0xFF800000 : f32
      %broadcast_in_dim3A_1036 = vector.broadcast %jit3A_1035 : f32 to vector<16xf32>
      %select_n3A_1037 = arith.select %eq3A_1034, %get3A_1031, %broadcast_in_dim3A_1036 : vector<16xi1>, vector<16xf32>
      %max3A_1038 = arith.maximumf %max3A_1026, %select_n3A_1037 : vector<16xf32>
      %get3A_1039 = arith.constant 82 : i32
      %get3A_1040 = arith.index_cast %get3A_1039 : i32 to index
      %get3A_1041 = arith.constant 80 : index
      %get3A_1042 = tpu.vector_load %arg4[%get3A_1040, %get3A_1041] {strides = array<i32>} : memref<128x128xf32, #tpu.memory_space<vmem>>, vector<1x16xf32>,
      %get3A_1043 = vector.shape_cast %get3A_1042 : vector<1x16xf32> to vector<16xf32>
      %eq3A_1044 = arith.constant 2 : i32
      %eq3A_1045 = vector.broadcast %eq3A_1044 : i32 to vector<16xi32>
      %eq3A_1046 = arith.cmpi eq, %iota3A, %eq3A_1045 : vector<16xi32>
      %jit3A_1047 = arith.constant 0xFF800000 : f32
      %broadcast_in_dim3A_1048 = vector.broadcast %jit3A_1047 : f32 to vector<16xf32>
      %select_n3A_1049 = arith.select %eq3A_1046, %get3A_1043, %broadcast_in_dim3A_1048 : vector<16xi1>, vector<16xf32>
      %max3A_1050 = arith.maximumf %max3A_1038, %select_n3A_1049 : vector<16xf32>
      %get3A_1051 = arith.constant 83 : i32
      %get3A_1052 = arith.index_cast %get3A_1051 : i32 to index
      %get3A_1053 = arith.constant 80 : index
      %get3A_1054 = tpu.vector_load %arg4[%get3A_1052, %get3A_1053] {strides = array<i32>} : memref<128x128xf32, #tpu.memory_space<vmem>>, vector<1x16xf32>,
      %get3A_1055 = vector.shape_cast %get3A_1054 : vector<1x16xf32> to vector<16xf32>
      %eq3A_1056 = arith.constant 3 : i32
      %eq3A_1057 = vector.broadcast %eq3A_1056 : i32 to vector<16xi32>
      %eq3A_1058 = arith.cmpi eq, %iota3A, %eq3A_1057 : vector<16xi32>
      %jit3A_1059 = arith.constant 0xFF800000 : f32
      %broadcast_in_dim3A_1060 = vector.broadcast %jit3A_1059 : f32 to vector<16xf32>
      %select_n3A_1061 = arith.select %eq3A_1058, %get3A_1055, %broadcast_in_dim3A_1060 : vector<16xi1>, vector<16xf32>
      %max3A_1062 = arith.maximumf %max3A_1050, %select_n3A_1061 : vector<16xf32>
      %get3A_1063 = arith.constant 84 : i32
      %get3A_1064 = arith.index_cast %get3A_1063 : i32 to index
      %get3A_1065 = arith.constant 80 : index
      %get3A_1066 = tpu.vector_load %arg4[%get3A_1064, %get3A_1065] {strides = array<i32>} : memref<128x128xf32, #tpu.memory_space<vmem>>, vector<1x16xf32>,
      %get3A_1067 = vector.shape_cast %get3A_1066 : vector<1x16xf32> to vector<16xf32>
      %eq3A_1068 = arith.constant 4 : i32
      %eq3A_1069 = vector.broadcast %eq3A_1068 : i32 to vector<16xi32>
      %eq3A_1070 = arith.cmpi eq, %iota3A, %eq3A_1069 : vector<16xi32>
      %jit3A_1071 = arith.constant 0xFF800000 : f32
      %broadcast_in_dim3A_1072 = vector.broadcast %jit3A_1071 : f32 to vector<16xf32>
      %select_n3A_1073 = arith.select %eq3A_1070, %get3A_1067, %broadcast_in_dim3A_1072 : vector<16xi1>, vector<16xf32>
      %max3A_1074 = arith.maximumf %max3A_1062, %select_n3A_1073 : vector<16xf32>
      %get3A_1075 = arith.constant 85 : i32
      %get3A_1076 = arith.index_cast %get3A_1075 : i32 to index
      %get3A_1077 = arith.constant 80 : index
      %get3A_1078 = tpu.vector_load %arg4[%get3A_1076, %get3A_1077] {strides = array<i32>} : memref<128x128xf32, #tpu.memory_space<vmem>>, vector<1x16xf32>,
      %get3A_1079 = vector.shape_cast %get3A_1078 : vector<1x16xf32> to vector<16xf32>
      %eq3A_1080 = arith.constant 5 : i32
      %eq3A_1081 = vector.broadcast %eq3A_1080 : i32 to vector<16xi32>
      %eq3A_1082 = arith.cmpi eq, %iota3A, %eq3A_1081 : vector<16xi32>
      %jit3A_1083 = arith.constant 0xFF800000 : f32
      %broadcast_in_dim3A_1084 = vector.broadcast %jit3A_1083 : f32 to vector<16xf32>
      %select_n3A_1085 = arith.select %eq3A_1082, %get3A_1079, %broadcast_in_dim3A_1084 : vector<16xi1>, vector<16xf32>
      %max3A_1086 = arith.maximumf %max3A_1074, %select_n3A_1085 : vector<16xf32>
      %get3A_1087 = arith.constant 86 : i32
      %get3A_1088 = arith.index_cast %get3A_1087 : i32 to index
      %get3A_1089 = arith.constant 80 : index
      %get3A_1090 = tpu.vector_load %arg4[%get3A_1088, %get3A_1089] {strides = array<i32>} : memref<128x128xf32, #tpu.memory_space<vmem>>, vector<1x16xf32>,
      %get3A_1091 = vector.shape_cast %get3A_1090 : vector<1x16xf32> to vector<16xf32>
      %eq3A_1092 = arith.constant 6 : i32
      %eq3A_1093 = vector.broadcast %eq3A_1092 : i32 to vector<16xi32>
      %eq3A_1094 = arith.cmpi eq, %iota3A, %eq3A_1093 : vector<16xi32>
      %jit3A_1095 = arith.constant 0xFF800000 : f32
      %broadcast_in_dim3A_1096 = vector.broadcast %jit3A_1095 : f32 to vector<16xf32>
      %select_n3A_1097 = arith.select %eq3A_1094, %get3A_1091, %broadcast_in_dim3A_1096 : vector<16xi1>, vector<16xf32>
      %max3A_1098 = arith.maximumf %max3A_1086, %select_n3A_1097 : vector<16xf32>
      %get3A_1099 = arith.constant 87 : i32
      %get3A_1100 = arith.index_cast %get3A_1099 : i32 to index
      %get3A_1101 = arith.constant 80 : index
      %get3A_1102 = tpu.vector_load %arg4[%get3A_1100, %get3A_1101] {strides = array<i32>} : memref<128x128xf32, #tpu.memory_space<vmem>>, vector<1x16xf32>,
      %get3A_1103 = vector.shape_cast %get3A_1102 : vector<1x16xf32> to vector<16xf32>
      %eq3A_1104 = arith.constant 7 : i32
      %eq3A_1105 = vector.broadcast %eq3A_1104 : i32 to vector<16xi32>
      %eq3A_1106 = arith.cmpi eq, %iota3A, %eq3A_1105 : vector<16xi32>
      %jit3A_1107 = arith.constant 0xFF800000 : f32
      %broadcast_in_dim3A_1108 = vector.broadcast %jit3A_1107 : f32 to vector<16xf32>
      %select_n3A_1109 = arith.select %eq3A_1106, %get3A_1103, %broadcast_in_dim3A_1108 : vector<16xi1>, vector<16xf32>
      %max3A_1110 = arith.maximumf %max3A_1098, %select_n3A_1109 : vector<16xf32>
      %get3A_1111 = arith.constant 88 : i32
      %get3A_1112 = arith.index_cast %get3A_1111 : i32 to index
      %get3A_1113 = arith.constant 80 : index
      %get3A_1114 = tpu.vector_load %arg4[%get3A_1112, %get3A_1113] {strides = array<i32>} : memref<128x128xf32, #tpu.memory_space<vmem>>, vector<1x16xf32>,
      %get3A_1115 = vector.shape_cast %get3A_1114 : vector<1x16xf32> to vector<16xf32>
      %eq3A_1116 = arith.constant 8 : i32
      %eq3A_1117 = vector.broadcast %eq3A_1116 : i32 to vector<16xi32>
      %eq3A_1118 = arith.cmpi eq, %iota3A, %eq3A_1117 : vector<16xi32>
      %jit3A_1119 = arith.constant 0xFF800000 : f32
      %broadcast_in_dim3A_1120 = vector.broadcast %jit3A_1119 : f32 to vector<16xf32>
      %select_n3A_1121 = arith.select %eq3A_1118, %get3A_1115, %broadcast_in_dim3A_1120 : vector<16xi1>, vector<16xf32>
      %max3A_1122 = arith.maximumf %max3A_1110, %select_n3A_1121 : vector<16xf32>
      %get3A_1123 = arith.constant 89 : i32
      %get3A_1124 = arith.index_cast %get3A_1123 : i32 to index
      %get3A_1125 = arith.constant 80 : index
      %get3A_1126 = tpu.vector_load %arg4[%get3A_1124, %get3A_1125] {strides = array<i32>} : memref<128x128xf32, #tpu.memory_space<vmem>>, vector<1x16xf32>,
      %get3A_1127 = vector.shape_cast %get3A_1126 : vector<1x16xf32> to vector<16xf32>
      %eq3A_1128 = arith.constant 9 : i32
      %eq3A_1129 = vector.broadcast %eq3A_1128 : i32 to vector<16xi32>
      %eq3A_1130 = arith.cmpi eq, %iota3A, %eq3A_1129 : vector<16xi32>
      %jit3A_1131 = arith.constant 0xFF800000 : f32
      %broadcast_in_dim3A_1132 = vector.broadcast %jit3A_1131 : f32 to vector<16xf32>
      %select_n3A_1133 = arith.select %eq3A_1130, %get3A_1127, %broadcast_in_dim3A_1132 : vector<16xi1>, vector<16xf32>
      %max3A_1134 = arith.maximumf %max3A_1122, %select_n3A_1133 : vector<16xf32>
      %get3A_1135 = arith.constant 90 : i32
      %get3A_1136 = arith.index_cast %get3A_1135 : i32 to index
      %get3A_1137 = arith.constant 80 : index
      %get3A_1138 = tpu.vector_load %arg4[%get3A_1136, %get3A_1137] {strides = array<i32>} : memref<128x128xf32, #tpu.memory_space<vmem>>, vector<1x16xf32>,
      %get3A_1139 = vector.shape_cast %get3A_1138 : vector<1x16xf32> to vector<16xf32>
      %eq3A_1140 = arith.constant 10 : i32
      %eq3A_1141 = vector.broadcast %eq3A_1140 : i32 to vector<16xi32>
      %eq3A_1142 = arith.cmpi eq, %iota3A, %eq3A_1141 : vector<16xi32>
      %jit3A_1143 = arith.constant 0xFF800000 : f32
      %broadcast_in_dim3A_1144 = vector.broadcast %jit3A_1143 : f32 to vector<16xf32>
      %select_n3A_1145 = arith.select %eq3A_1142, %get3A_1139, %broadcast_in_dim3A_1144 : vector<16xi1>, vector<16xf32>
      %max3A_1146 = arith.maximumf %max3A_1134, %select_n3A_1145 : vector<16xf32>
      %get3A_1147 = arith.constant 91 : i32
      %get3A_1148 = arith.index_cast %get3A_1147 : i32 to index
      %get3A_1149 = arith.constant 80 : index
      %get3A_1150 = tpu.vector_load %arg4[%get3A_1148, %get3A_1149] {strides = array<i32>} : memref<128x128xf32, #tpu.memory_space<vmem>>, vector<1x16xf32>,
      %get3A_1151 = vector.shape_cast %get3A_1150 : vector<1x16xf32> to vector<16xf32>
      %eq3A_1152 = arith.constant 11 : i32
      %eq3A_1153 = vector.broadcast %eq3A_1152 : i32 to vector<16xi32>
      %eq3A_1154 = arith.cmpi eq, %iota3A, %eq3A_1153 : vector<16xi32>
      %jit3A_1155 = arith.constant 0xFF800000 : f32
      %broadcast_in_dim3A_1156 = vector.broadcast %jit3A_1155 : f32 to vector<16xf32>
      %select_n3A_1157 = arith.select %eq3A_1154, %get3A_1151, %broadcast_in_dim3A_1156 : vector<16xi1>, vector<16xf32>
      %max3A_1158 = arith.maximumf %max3A_1146, %select_n3A_1157 : vector<16xf32>
      %get3A_1159 = arith.constant 92 : i32
      %get3A_1160 = arith.index_cast %get3A_1159 : i32 to index
      %get3A_1161 = arith.constant 80 : index
      %get3A_1162 = tpu.vector_load %arg4[%get3A_1160, %get3A_1161] {strides = array<i32>} : memref<128x128xf32, #tpu.memory_space<vmem>>, vector<1x16xf32>,
      %get3A_1163 = vector.shape_cast %get3A_1162 : vector<1x16xf32> to vector<16xf32>
      %eq3A_1164 = arith.constant 12 : i32
      %eq3A_1165 = vector.broadcast %eq3A_1164 : i32 to vector<16xi32>
      %eq3A_1166 = arith.cmpi eq, %iota3A, %eq3A_1165 : vector<16xi32>
      %jit3A_1167 = arith.constant 0xFF800000 : f32
      %broadcast_in_dim3A_1168 = vector.broadcast %jit3A_1167 : f32 to vector<16xf32>
      %select_n3A_1169 = arith.select %eq3A_1166, %get3A_1163, %broadcast_in_dim3A_1168 : vector<16xi1>, vector<16xf32>
      %max3A_1170 = arith.maximumf %max3A_1158, %select_n3A_1169 : vector<16xf32>
      %get3A_1171 = arith.constant 93 : i32
      %get3A_1172 = arith.index_cast %get3A_1171 : i32 to index
      %get3A_1173 = arith.constant 80 : index
      %get3A_1174 = tpu.vector_load %arg4[%get3A_1172, %get3A_1173] {strides = array<i32>} : memref<128x128xf32, #tpu.memory_space<vmem>>, vector<1x16xf32>,
      %get3A_1175 = vector.shape_cast %get3A_1174 : vector<1x16xf32> to vector<16xf32>
      %eq3A_1176 = arith.constant 13 : i32
      %eq3A_1177 = vector.broadcast %eq3A_1176 : i32 to vector<16xi32>
      %eq3A_1178 = arith.cmpi eq, %iota3A, %eq3A_1177 : vector<16xi32>
      %jit3A_1179 = arith.constant 0xFF800000 : f32
      %broadcast_in_dim3A_1180 = vector.broadcast %jit3A_1179 : f32 to vector<16xf32>
      %select_n3A_1181 = arith.select %eq3A_1178, %get3A_1175, %broadcast_in_dim3A_1180 : vector<16xi1>, vector<16xf32>
      %max3A_1182 = arith.maximumf %max3A_1170, %select_n3A_1181 : vector<16xf32>
      %get3A_1183 = arith.constant 94 : i32
      %get3A_1184 = arith.index_cast %get3A_1183 : i32 to index
      %get3A_1185 = arith.constant 80 : index
      %get3A_1186 = tpu.vector_load %arg4[%get3A_1184, %get3A_1185] {strides = array<i32>} : memref<128x128xf32, #tpu.memory_space<vmem>>, vector<1x16xf32>,
      %get3A_1187 = vector.shape_cast %get3A_1186 : vector<1x16xf32> to vector<16xf32>
      %eq3A_1188 = arith.constant 14 : i32
      %eq3A_1189 = vector.broadcast %eq3A_1188 : i32 to vector<16xi32>
      %eq3A_1190 = arith.cmpi eq, %iota3A, %eq3A_1189 : vector<16xi32>
      %jit3A_1191 = arith.constant 0xFF800000 : f32
      %broadcast_in_dim3A_1192 = vector.broadcast %jit3A_1191 : f32 to vector<16xf32>
      %select_n3A_1193 = arith.select %eq3A_1190, %get3A_1187, %broadcast_in_dim3A_1192 : vector<16xi1>, vector<16xf32>
      %max3A_1194 = arith.maximumf %max3A_1182, %select_n3A_1193 : vector<16xf32>
      %get3A_1195 = arith.constant 95 : i32
      %get3A_1196 = arith.index_cast %get3A_1195 : i32 to index
      %get3A_1197 = arith.constant 80 : index
      %get3A_1198 = tpu.vector_load %arg4[%get3A_1196, %get3A_1197] {strides = array<i32>} : memref<128x128xf32, #tpu.memory_space<vmem>>, vector<1x16xf32>,
      %get3A_1199 = vector.shape_cast %get3A_1198 : vector<1x16xf32> to vector<16xf32>
      %eq3A_1200 = arith.constant 15 : i32
      %eq3A_1201 = vector.broadcast %eq3A_1200 : i32 to vector<16xi32>
      %eq3A_1202 = arith.cmpi eq, %iota3A, %eq3A_1201 : vector<16xi32>
      %jit3A_1203 = arith.constant 0xFF800000 : f32
      %broadcast_in_dim3A_1204 = vector.broadcast %jit3A_1203 : f32 to vector<16xf32>
      %select_n3A_1205 = arith.select %eq3A_1202, %get3A_1199, %broadcast_in_dim3A_1204 : vector<16xi1>, vector<16xf32>
      %max3A_1206 = arith.maximumf %max3A_1194, %select_n3A_1205 : vector<16xf32>
      %get3A_1207 = arith.constant 96 : i32
      %get3A_1208 = arith.index_cast %get3A_1207 : i32 to index
      %get3A_1209 = arith.constant 96 : index
      %get3A_1210 = tpu.vector_load %arg4[%get3A_1208, %get3A_1209] {strides = array<i32>} : memref<128x128xf32, #tpu.memory_space<vmem>>, vector<1x16xf32>,
      %get3A_1211 = vector.shape_cast %get3A_1210 : vector<1x16xf32> to vector<16xf32>
      %eq3A_1212 = arith.constant 0 : i32
      %eq3A_1213 = vector.broadcast %eq3A_1212 : i32 to vector<16xi32>
      %eq3A_1214 = arith.cmpi eq, %iota3A, %eq3A_1213 : vector<16xi32>
      %jit3A_1215 = arith.constant 0xFF800000 : f32
      %broadcast_in_dim3A_1216 = vector.broadcast %jit3A_1215 : f32 to vector<16xf32>
      %select_n3A_1217 = arith.select %eq3A_1214, %get3A_1211, %broadcast_in_dim3A_1216 : vector<16xi1>, vector<16xf32>
      %max3A_1218 = arith.maximumf %max3A_1206, %select_n3A_1217 : vector<16xf32>
      %get3A_1219 = arith.constant 97 : i32
      %get3A_1220 = arith.index_cast %get3A_1219 : i32 to index
      %get3A_1221 = arith.constant 96 : index
      %get3A_1222 = tpu.vector_load %arg4[%get3A_1220, %get3A_1221] {strides = array<i32>} : memref<128x128xf32, #tpu.memory_space<vmem>>, vector<1x16xf32>,
      %get3A_1223 = vector.shape_cast %get3A_1222 : vector<1x16xf32> to vector<16xf32>
      %eq3A_1224 = arith.constant 1 : i32
      %eq3A_1225 = vector.broadcast %eq3A_1224 : i32 to vector<16xi32>
      %eq3A_1226 = arith.cmpi eq, %iota3A, %eq3A_1225 : vector<16xi32>
      %jit3A_1227 = arith.constant 0xFF800000 : f32
      %broadcast_in_dim3A_1228 = vector.broadcast %jit3A_1227 : f32 to vector<16xf32>
      %select_n3A_1229 = arith.select %eq3A_1226, %get3A_1223, %broadcast_in_dim3A_1228 : vector<16xi1>, vector<16xf32>
      %max3A_1230 = arith.maximumf %max3A_1218, %select_n3A_1229 : vector<16xf32>
      %get3A_1231 = arith.constant 98 : i32
      %get3A_1232 = arith.index_cast %get3A_1231 : i32 to index
      %get3A_1233 = arith.constant 96 : index
      %get3A_1234 = tpu.vector_load %arg4[%get3A_1232, %get3A_1233] {strides = array<i32>} : memref<128x128xf32, #tpu.memory_space<vmem>>, vector<1x16xf32>,
      %get3A_1235 = vector.shape_cast %get3A_1234 : vector<1x16xf32> to vector<16xf32>
      %eq3A_1236 = arith.constant 2 : i32
      %eq3A_1237 = vector.broadcast %eq3A_1236 : i32 to vector<16xi32>
      %eq3A_1238 = arith.cmpi eq, %iota3A, %eq3A_1237 : vector<16xi32>
      %jit3A_1239 = arith.constant 0xFF800000 : f32
      %broadcast_in_dim3A_1240 = vector.broadcast %jit3A_1239 : f32 to vector<16xf32>
      %select_n3A_1241 = arith.select %eq3A_1238, %get3A_1235, %broadcast_in_dim3A_1240 : vector<16xi1>, vector<16xf32>
      %max3A_1242 = arith.maximumf %max3A_1230, %select_n3A_1241 : vector<16xf32>
      %get3A_1243 = arith.constant 99 : i32
      %get3A_1244 = arith.index_cast %get3A_1243 : i32 to index
      %get3A_1245 = arith.constant 96 : index
      %get3A_1246 = tpu.vector_load %arg4[%get3A_1244, %get3A_1245] {strides = array<i32>} : memref<128x128xf32, #tpu.memory_space<vmem>>, vector<1x16xf32>,
      %get3A_1247 = vector.shape_cast %get3A_1246 : vector<1x16xf32> to vector<16xf32>
      %eq3A_1248 = arith.constant 3 : i32
      %eq3A_1249 = vector.broadcast %eq3A_1248 : i32 to vector<16xi32>
      %eq3A_1250 = arith.cmpi eq, %iota3A, %eq3A_1249 : vector<16xi32>
      %jit3A_1251 = arith.constant 0xFF800000 : f32
      %broadcast_in_dim3A_1252 = vector.broadcast %jit3A_1251 : f32 to vector<16xf32>
      %select_n3A_1253 = arith.select %eq3A_1250, %get3A_1247, %broadcast_in_dim3A_1252 : vector<16xi1>, vector<16xf32>
      %max3A_1254 = arith.maximumf %max3A_1242, %select_n3A_1253 : vector<16xf32>
      %get3A_1255 = arith.constant 100 : i32
      %get3A_1256 = arith.index_cast %get3A_1255 : i32 to index
      %get3A_1257 = arith.constant 96 : index
      %get3A_1258 = tpu.vector_load %arg4[%get3A_1256, %get3A_1257] {strides = array<i32>} : memref<128x128xf32, #tpu.memory_space<vmem>>, vector<1x16xf32>,
      %get3A_1259 = vector.shape_cast %get3A_1258 : vector<1x16xf32> to vector<16xf32>
      %eq3A_1260 = arith.constant 4 : i32
      %eq3A_1261 = vector.broadcast %eq3A_1260 : i32 to vector<16xi32>
      %eq3A_1262 = arith.cmpi eq, %iota3A, %eq3A_1261 : vector<16xi32>
      %jit3A_1263 = arith.constant 0xFF800000 : f32
      %broadcast_in_dim3A_1264 = vector.broadcast %jit3A_1263 : f32 to vector<16xf32>
      %select_n3A_1265 = arith.select %eq3A_1262, %get3A_1259, %broadcast_in_dim3A_1264 : vector<16xi1>, vector<16xf32>
      %max3A_1266 = arith.maximumf %max3A_1254, %select_n3A_1265 : vector<16xf32>
      %get3A_1267 = arith.constant 101 : i32
      %get3A_1268 = arith.index_cast %get3A_1267 : i32 to index
      %get3A_1269 = arith.constant 96 : index
      %get3A_1270 = tpu.vector_load %arg4[%get3A_1268, %get3A_1269] {strides = array<i32>} : memref<128x128xf32, #tpu.memory_space<vmem>>, vector<1x16xf32>,
      %get3A_1271 = vector.shape_cast %get3A_1270 : vector<1x16xf32> to vector<16xf32>
      %eq3A_1272 = arith.constant 5 : i32
      %eq3A_1273 = vector.broadcast %eq3A_1272 : i32 to vector<16xi32>
      %eq3A_1274 = arith.cmpi eq, %iota3A, %eq3A_1273 : vector<16xi32>
      %jit3A_1275 = arith.constant 0xFF800000 : f32
      %broadcast_in_dim3A_1276 = vector.broadcast %jit3A_1275 : f32 to vector<16xf32>
      %select_n3A_1277 = arith.select %eq3A_1274, %get3A_1271, %broadcast_in_dim3A_1276 : vector<16xi1>, vector<16xf32>
      %max3A_1278 = arith.maximumf %max3A_1266, %select_n3A_1277 : vector<16xf32>
      %get3A_1279 = arith.constant 102 : i32
      %get3A_1280 = arith.index_cast %get3A_1279 : i32 to index
      %get3A_1281 = arith.constant 96 : index
      %get3A_1282 = tpu.vector_load %arg4[%get3A_1280, %get3A_1281] {strides = array<i32>} : memref<128x128xf32, #tpu.memory_space<vmem>>, vector<1x16xf32>,
      %get3A_1283 = vector.shape_cast %get3A_1282 : vector<1x16xf32> to vector<16xf32>
      %eq3A_1284 = arith.constant 6 : i32
      %eq3A_1285 = vector.broadcast %eq3A_1284 : i32 to vector<16xi32>
      %eq3A_1286 = arith.cmpi eq, %iota3A, %eq3A_1285 : vector<16xi32>
      %jit3A_1287 = arith.constant 0xFF800000 : f32
      %broadcast_in_dim3A_1288 = vector.broadcast %jit3A_1287 : f32 to vector<16xf32>
      %select_n3A_1289 = arith.select %eq3A_1286, %get3A_1283, %broadcast_in_dim3A_1288 : vector<16xi1>, vector<16xf32>
      %max3A_1290 = arith.maximumf %max3A_1278, %select_n3A_1289 : vector<16xf32>
      %get3A_1291 = arith.constant 103 : i32
      %get3A_1292 = arith.index_cast %get3A_1291 : i32 to index
      %get3A_1293 = arith.constant 96 : index
      %get3A_1294 = tpu.vector_load %arg4[%get3A_1292, %get3A_1293] {strides = array<i32>} : memref<128x128xf32, #tpu.memory_space<vmem>>, vector<1x16xf32>,
      %get3A_1295 = vector.shape_cast %get3A_1294 : vector<1x16xf32> to vector<16xf32>
      %eq3A_1296 = arith.constant 7 : i32
      %eq3A_1297 = vector.broadcast %eq3A_1296 : i32 to vector<16xi32>
      %eq3A_1298 = arith.cmpi eq, %iota3A, %eq3A_1297 : vector<16xi32>
      %jit3A_1299 = arith.constant 0xFF800000 : f32
      %broadcast_in_dim3A_1300 = vector.broadcast %jit3A_1299 : f32 to vector<16xf32>
      %select_n3A_1301 = arith.select %eq3A_1298, %get3A_1295, %broadcast_in_dim3A_1300 : vector<16xi1>, vector<16xf32>
      %max3A_1302 = arith.maximumf %max3A_1290, %select_n3A_1301 : vector<16xf32>
      %get3A_1303 = arith.constant 104 : i32
      %get3A_1304 = arith.index_cast %get3A_1303 : i32 to index
      %get3A_1305 = arith.constant 96 : index
      %get3A_1306 = tpu.vector_load %arg4[%get3A_1304, %get3A_1305] {strides = array<i32>} : memref<128x128xf32, #tpu.memory_space<vmem>>, vector<1x16xf32>,
      %get3A_1307 = vector.shape_cast %get3A_1306 : vector<1x16xf32> to vector<16xf32>
      %eq3A_1308 = arith.constant 8 : i32
      %eq3A_1309 = vector.broadcast %eq3A_1308 : i32 to vector<16xi32>
      %eq3A_1310 = arith.cmpi eq, %iota3A, %eq3A_1309 : vector<16xi32>
      %jit3A_1311 = arith.constant 0xFF800000 : f32
      %broadcast_in_dim3A_1312 = vector.broadcast %jit3A_1311 : f32 to vector<16xf32>
      %select_n3A_1313 = arith.select %eq3A_1310, %get3A_1307, %broadcast_in_dim3A_1312 : vector<16xi1>, vector<16xf32>
      %max3A_1314 = arith.maximumf %max3A_1302, %select_n3A_1313 : vector<16xf32>
      %get3A_1315 = arith.constant 105 : i32
      %get3A_1316 = arith.index_cast %get3A_1315 : i32 to index
      %get3A_1317 = arith.constant 96 : index
      %get3A_1318 = tpu.vector_load %arg4[%get3A_1316, %get3A_1317] {strides = array<i32>} : memref<128x128xf32, #tpu.memory_space<vmem>>, vector<1x16xf32>,
      %get3A_1319 = vector.shape_cast %get3A_1318 : vector<1x16xf32> to vector<16xf32>
      %eq3A_1320 = arith.constant 9 : i32
      %eq3A_1321 = vector.broadcast %eq3A_1320 : i32 to vector<16xi32>
      %eq3A_1322 = arith.cmpi eq, %iota3A, %eq3A_1321 : vector<16xi32>
      %jit3A_1323 = arith.constant 0xFF800000 : f32
      %broadcast_in_dim3A_1324 = vector.broadcast %jit3A_1323 : f32 to vector<16xf32>
      %select_n3A_1325 = arith.select %eq3A_1322, %get3A_1319, %broadcast_in_dim3A_1324 : vector<16xi1>, vector<16xf32>
      %max3A_1326 = arith.maximumf %max3A_1314, %select_n3A_1325 : vector<16xf32>
      %get3A_1327 = arith.constant 106 : i32
      %get3A_1328 = arith.index_cast %get3A_1327 : i32 to index
      %get3A_1329 = arith.constant 96 : index
      %get3A_1330 = tpu.vector_load %arg4[%get3A_1328, %get3A_1329] {strides = array<i32>} : memref<128x128xf32, #tpu.memory_space<vmem>>, vector<1x16xf32>,
      %get3A_1331 = vector.shape_cast %get3A_1330 : vector<1x16xf32> to vector<16xf32>
      %eq3A_1332 = arith.constant 10 : i32
      %eq3A_1333 = vector.broadcast %eq3A_1332 : i32 to vector<16xi32>
      %eq3A_1334 = arith.cmpi eq, %iota3A, %eq3A_1333 : vector<16xi32>
      %jit3A_1335 = arith.constant 0xFF800000 : f32
      %broadcast_in_dim3A_1336 = vector.broadcast %jit3A_1335 : f32 to vector<16xf32>
      %select_n3A_1337 = arith.select %eq3A_1334, %get3A_1331, %broadcast_in_dim3A_1336 : vector<16xi1>, vector<16xf32>
      %max3A_1338 = arith.maximumf %max3A_1326, %select_n3A_1337 : vector<16xf32>
      %get3A_1339 = arith.constant 107 : i32
      %get3A_1340 = arith.index_cast %get3A_1339 : i32 to index
      %get3A_1341 = arith.constant 96 : index
      %get3A_1342 = tpu.vector_load %arg4[%get3A_1340, %get3A_1341] {strides = array<i32>} : memref<128x128xf32, #tpu.memory_space<vmem>>, vector<1x16xf32>,
      %get3A_1343 = vector.shape_cast %get3A_1342 : vector<1x16xf32> to vector<16xf32>
      %eq3A_1344 = arith.constant 11 : i32
      %eq3A_1345 = vector.broadcast %eq3A_1344 : i32 to vector<16xi32>
      %eq3A_1346 = arith.cmpi eq, %iota3A, %eq3A_1345 : vector<16xi32>
      %jit3A_1347 = arith.constant 0xFF800000 : f32
      %broadcast_in_dim3A_1348 = vector.broadcast %jit3A_1347 : f32 to vector<16xf32>
      %select_n3A_1349 = arith.select %eq3A_1346, %get3A_1343, %broadcast_in_dim3A_1348 : vector<16xi1>, vector<16xf32>
      %max3A_1350 = arith.maximumf %max3A_1338, %select_n3A_1349 : vector<16xf32>
      %get3A_1351 = arith.constant 108 : i32
      %get3A_1352 = arith.index_cast %get3A_1351 : i32 to index
      %get3A_1353 = arith.constant 96 : index
      %get3A_1354 = tpu.vector_load %arg4[%get3A_1352, %get3A_1353] {strides = array<i32>} : memref<128x128xf32, #tpu.memory_space<vmem>>, vector<1x16xf32>,
      %get3A_1355 = vector.shape_cast %get3A_1354 : vector<1x16xf32> to vector<16xf32>
      %eq3A_1356 = arith.constant 12 : i32
      %eq3A_1357 = vector.broadcast %eq3A_1356 : i32 to vector<16xi32>
      %eq3A_1358 = arith.cmpi eq, %iota3A, %eq3A_1357 : vector<16xi32>
      %jit3A_1359 = arith.constant 0xFF800000 : f32
      %broadcast_in_dim3A_1360 = vector.broadcast %jit3A_1359 : f32 to vector<16xf32>
      %select_n3A_1361 = arith.select %eq3A_1358, %get3A_1355, %broadcast_in_dim3A_1360 : vector<16xi1>, vector<16xf32>
      %max3A_1362 = arith.maximumf %max3A_1350, %select_n3A_1361 : vector<16xf32>
      %get3A_1363 = arith.constant 109 : i32
      %get3A_1364 = arith.index_cast %get3A_1363 : i32 to index
      %get3A_1365 = arith.constant 96 : index
      %get3A_1366 = tpu.vector_load %arg4[%get3A_1364, %get3A_1365] {strides = array<i32>} : memref<128x128xf32, #tpu.memory_space<vmem>>, vector<1x16xf32>,
      %get3A_1367 = vector.shape_cast %get3A_1366 : vector<1x16xf32> to vector<16xf32>
      %eq3A_1368 = arith.constant 13 : i32
      %eq3A_1369 = vector.broadcast %eq3A_1368 : i32 to vector<16xi32>
      %eq3A_1370 = arith.cmpi eq, %iota3A, %eq3A_1369 : vector<16xi32>
      %jit3A_1371 = arith.constant 0xFF800000 : f32
      %broadcast_in_dim3A_1372 = vector.broadcast %jit3A_1371 : f32 to vector<16xf32>
      %select_n3A_1373 = arith.select %eq3A_1370, %get3A_1367, %broadcast_in_dim3A_1372 : vector<16xi1>, vector<16xf32>
      %max3A_1374 = arith.maximumf %max3A_1362, %select_n3A_1373 : vector<16xf32>
      %get3A_1375 = arith.constant 110 : i32
      %get3A_1376 = arith.index_cast %get3A_1375 : i32 to index
      %get3A_1377 = arith.constant 96 : index
      %get3A_1378 = tpu.vector_load %arg4[%get3A_1376, %get3A_1377] {strides = array<i32>} : memref<128x128xf32, #tpu.memory_space<vmem>>, vector<1x16xf32>,
      %get3A_1379 = vector.shape_cast %get3A_1378 : vector<1x16xf32> to vector<16xf32>
      %eq3A_1380 = arith.constant 14 : i32
      %eq3A_1381 = vector.broadcast %eq3A_1380 : i32 to vector<16xi32>
      %eq3A_1382 = arith.cmpi eq, %iota3A, %eq3A_1381 : vector<16xi32>
      %jit3A_1383 = arith.constant 0xFF800000 : f32
      %broadcast_in_dim3A_1384 = vector.broadcast %jit3A_1383 : f32 to vector<16xf32>
      %select_n3A_1385 = arith.select %eq3A_1382, %get3A_1379, %broadcast_in_dim3A_1384 : vector<16xi1>, vector<16xf32>
      %max3A_1386 = arith.maximumf %max3A_1374, %select_n3A_1385 : vector<16xf32>
      %get3A_1387 = arith.constant 111 : i32
      %get3A_1388 = arith.index_cast %get3A_1387 : i32 to index
      %get3A_1389 = arith.constant 96 : index
      %get3A_1390 = tpu.vector_load %arg4[%get3A_1388, %get3A_1389] {strides = array<i32>} : memref<128x128xf32, #tpu.memory_space<vmem>>, vector<1x16xf32>,
      %get3A_1391 = vector.shape_cast %get3A_1390 : vector<1x16xf32> to vector<16xf32>
      %eq3A_1392 = arith.constant 15 : i32
      %eq3A_1393 = vector.broadcast %eq3A_1392 : i32 to vector<16xi32>
      %eq3A_1394 = arith.cmpi eq, %iota3A, %eq3A_1393 : vector<16xi32>
      %jit3A_1395 = arith.constant 0xFF800000 : f32
      %broadcast_in_dim3A_1396 = vector.broadcast %jit3A_1395 : f32 to vector<16xf32>
      %select_n3A_1397 = arith.select %eq3A_1394, %get3A_1391, %broadcast_in_dim3A_1396 : vector<16xi1>, vector<16xf32>
      %max3A_1398 = arith.maximumf %max3A_1386, %select_n3A_1397 : vector<16xf32>
      %get3A_1399 = arith.constant 112 : i32
      %get3A_1400 = arith.index_cast %get3A_1399 : i32 to index
      %get3A_1401 = arith.constant 112 : index
      %get3A_1402 = tpu.vector_load %arg4[%get3A_1400, %get3A_1401] {strides = array<i32>} : memref<128x128xf32, #tpu.memory_space<vmem>>, vector<1x16xf32>,
      %get3A_1403 = vector.shape_cast %get3A_1402 : vector<1x16xf32> to vector<16xf32>
      %eq3A_1404 = arith.constant 0 : i32
      %eq3A_1405 = vector.broadcast %eq3A_1404 : i32 to vector<16xi32>
      %eq3A_1406 = arith.cmpi eq, %iota3A, %eq3A_1405 : vector<16xi32>
      %jit3A_1407 = arith.constant 0xFF800000 : f32
      %broadcast_in_dim3A_1408 = vector.broadcast %jit3A_1407 : f32 to vector<16xf32>
      %select_n3A_1409 = arith.select %eq3A_1406, %get3A_1403, %broadcast_in_dim3A_1408 : vector<16xi1>, vector<16xf32>
      %max3A_1410 = arith.maximumf %max3A_1398, %select_n3A_1409 : vector<16xf32>
      %get3A_1411 = arith.constant 113 : i32
      %get3A_1412 = arith.index_cast %get3A_1411 : i32 to index
      %get3A_1413 = arith.constant 112 : index
      %get3A_1414 = tpu.vector_load %arg4[%get3A_1412, %get3A_1413] {strides = array<i32>} : memref<128x128xf32, #tpu.memory_space<vmem>>, vector<1x16xf32>,
      %get3A_1415 = vector.shape_cast %get3A_1414 : vector<1x16xf32> to vector<16xf32>
      %eq3A_1416 = arith.constant 1 : i32
      %eq3A_1417 = vector.broadcast %eq3A_1416 : i32 to vector<16xi32>
      %eq3A_1418 = arith.cmpi eq, %iota3A, %eq3A_1417 : vector<16xi32>
      %jit3A_1419 = arith.constant 0xFF800000 : f32
      %broadcast_in_dim3A_1420 = vector.broadcast %jit3A_1419 : f32 to vector<16xf32>
      %select_n3A_1421 = arith.select %eq3A_1418, %get3A_1415, %broadcast_in_dim3A_1420 : vector<16xi1>, vector<16xf32>
      %max3A_1422 = arith.maximumf %max3A_1410, %select_n3A_1421 : vector<16xf32>
      %get3A_1423 = arith.constant 114 : i32
      %get3A_1424 = arith.index_cast %get3A_1423 : i32 to index
      %get3A_1425 = arith.constant 112 : index
      %get3A_1426 = tpu.vector_load %arg4[%get3A_1424, %get3A_1425] {strides = array<i32>} : memref<128x128xf32, #tpu.memory_space<vmem>>, vector<1x16xf32>,
      %get3A_1427 = vector.shape_cast %get3A_1426 : vector<1x16xf32> to vector<16xf32>
      %eq3A_1428 = arith.constant 2 : i32
      %eq3A_1429 = vector.broadcast %eq3A_1428 : i32 to vector<16xi32>
      %eq3A_1430 = arith.cmpi eq, %iota3A, %eq3A_1429 : vector<16xi32>
      %jit3A_1431 = arith.constant 0xFF800000 : f32
      %broadcast_in_dim3A_1432 = vector.broadcast %jit3A_1431 : f32 to vector<16xf32>
      %select_n3A_1433 = arith.select %eq3A_1430, %get3A_1427, %broadcast_in_dim3A_1432 : vector<16xi1>, vector<16xf32>
      %max3A_1434 = arith.maximumf %max3A_1422, %select_n3A_1433 : vector<16xf32>
      %get3A_1435 = arith.constant 115 : i32
      %get3A_1436 = arith.index_cast %get3A_1435 : i32 to index
      %get3A_1437 = arith.constant 112 : index
      %get3A_1438 = tpu.vector_load %arg4[%get3A_1436, %get3A_1437] {strides = array<i32>} : memref<128x128xf32, #tpu.memory_space<vmem>>, vector<1x16xf32>,
      %get3A_1439 = vector.shape_cast %get3A_1438 : vector<1x16xf32> to vector<16xf32>
      %eq3A_1440 = arith.constant 3 : i32
      %eq3A_1441 = vector.broadcast %eq3A_1440 : i32 to vector<16xi32>
      %eq3A_1442 = arith.cmpi eq, %iota3A, %eq3A_1441 : vector<16xi32>
      %jit3A_1443 = arith.constant 0xFF800000 : f32
      %broadcast_in_dim3A_1444 = vector.broadcast %jit3A_1443 : f32 to vector<16xf32>
      %select_n3A_1445 = arith.select %eq3A_1442, %get3A_1439, %broadcast_in_dim3A_1444 : vector<16xi1>, vector<16xf32>
      %max3A_1446 = arith.maximumf %max3A_1434, %select_n3A_1445 : vector<16xf32>
      %get3A_1447 = arith.constant 116 : i32
      %get3A_1448 = arith.index_cast %get3A_1447 : i32 to index
      %get3A_1449 = arith.constant 112 : index
      %get3A_1450 = tpu.vector_load %arg4[%get3A_1448, %get3A_1449] {strides = array<i32>} : memref<128x128xf32, #tpu.memory_space<vmem>>, vector<1x16xf32>,
      %get3A_1451 = vector.shape_cast %get3A_1450 : vector<1x16xf32> to vector<16xf32>
      %eq3A_1452 = arith.constant 4 : i32
      %eq3A_1453 = vector.broadcast %eq3A_1452 : i32 to vector<16xi32>
      %eq3A_1454 = arith.cmpi eq, %iota3A, %eq3A_1453 : vector<16xi32>
      %jit3A_1455 = arith.constant 0xFF800000 : f32
      %broadcast_in_dim3A_1456 = vector.broadcast %jit3A_1455 : f32 to vector<16xf32>
      %select_n3A_1457 = arith.select %eq3A_1454, %get3A_1451, %broadcast_in_dim3A_1456 : vector<16xi1>, vector<16xf32>
      %max3A_1458 = arith.maximumf %max3A_1446, %select_n3A_1457 : vector<16xf32>
      %get3A_1459 = arith.constant 117 : i32
      %get3A_1460 = arith.index_cast %get3A_1459 : i32 to index
      %get3A_1461 = arith.constant 112 : index
      %get3A_1462 = tpu.vector_load %arg4[%get3A_1460, %get3A_1461] {strides = array<i32>} : memref<128x128xf32, #tpu.memory_space<vmem>>, vector<1x16xf32>,
      %get3A_1463 = vector.shape_cast %get3A_1462 : vector<1x16xf32> to vector<16xf32>
      %eq3A_1464 = arith.constant 5 : i32
      %eq3A_1465 = vector.broadcast %eq3A_1464 : i32 to vector<16xi32>
      %eq3A_1466 = arith.cmpi eq, %iota3A, %eq3A_1465 : vector<16xi32>
      %jit3A_1467 = arith.constant 0xFF800000 : f32
      %broadcast_in_dim3A_1468 = vector.broadcast %jit3A_1467 : f32 to vector<16xf32>
      %select_n3A_1469 = arith.select %eq3A_1466, %get3A_1463, %broadcast_in_dim3A_1468 : vector<16xi1>, vector<16xf32>
      %max3A_1470 = arith.maximumf %max3A_1458, %select_n3A_1469 : vector<16xf32>
      %get3A_1471 = arith.constant 118 : i32
      %get3A_1472 = arith.index_cast %get3A_1471 : i32 to index
      %get3A_1473 = arith.constant 112 : index
      %get3A_1474 = tpu.vector_load %arg4[%get3A_1472, %get3A_1473] {strides = array<i32>} : memref<128x128xf32, #tpu.memory_space<vmem>>, vector<1x16xf32>,
      %get3A_1475 = vector.shape_cast %get3A_1474 : vector<1x16xf32> to vector<16xf32>
      %eq3A_1476 = arith.constant 6 : i32
      %eq3A_1477 = vector.broadcast %eq3A_1476 : i32 to vector<16xi32>
      %eq3A_1478 = arith.cmpi eq, %iota3A, %eq3A_1477 : vector<16xi32>
      %jit3A_1479 = arith.constant 0xFF800000 : f32
      %broadcast_in_dim3A_1480 = vector.broadcast %jit3A_1479 : f32 to vector<16xf32>
      %select_n3A_1481 = arith.select %eq3A_1478, %get3A_1475, %broadcast_in_dim3A_1480 : vector<16xi1>, vector<16xf32>
      %max3A_1482 = arith.maximumf %max3A_1470, %select_n3A_1481 : vector<16xf32>
      %get3A_1483 = arith.constant 119 : i32
      %get3A_1484 = arith.index_cast %get3A_1483 : i32 to index
      %get3A_1485 = arith.constant 112 : index
      %get3A_1486 = tpu.vector_load %arg4[%get3A_1484, %get3A_1485] {strides = array<i32>} : memref<128x128xf32, #tpu.memory_space<vmem>>, vector<1x16xf32>,
      %get3A_1487 = vector.shape_cast %get3A_1486 : vector<1x16xf32> to vector<16xf32>
      %eq3A_1488 = arith.constant 7 : i32
      %eq3A_1489 = vector.broadcast %eq3A_1488 : i32 to vector<16xi32>
      %eq3A_1490 = arith.cmpi eq, %iota3A, %eq3A_1489 : vector<16xi32>
      %jit3A_1491 = arith.constant 0xFF800000 : f32
      %broadcast_in_dim3A_1492 = vector.broadcast %jit3A_1491 : f32 to vector<16xf32>
      %select_n3A_1493 = arith.select %eq3A_1490, %get3A_1487, %broadcast_in_dim3A_1492 : vector<16xi1>, vector<16xf32>
      %max3A_1494 = arith.maximumf %max3A_1482, %select_n3A_1493 : vector<16xf32>
      %get3A_1495 = arith.constant 120 : i32
      %get3A_1496 = arith.index_cast %get3A_1495 : i32 to index
      %get3A_1497 = arith.constant 112 : index
      %get3A_1498 = tpu.vector_load %arg4[%get3A_1496, %get3A_1497] {strides = array<i32>} : memref<128x128xf32, #tpu.memory_space<vmem>>, vector<1x16xf32>,
      %get3A_1499 = vector.shape_cast %get3A_1498 : vector<1x16xf32> to vector<16xf32>
      %eq3A_1500 = arith.constant 8 : i32
      %eq3A_1501 = vector.broadcast %eq3A_1500 : i32 to vector<16xi32>
      %eq3A_1502 = arith.cmpi eq, %iota3A, %eq3A_1501 : vector<16xi32>
      %jit3A_1503 = arith.constant 0xFF800000 : f32
      %broadcast_in_dim3A_1504 = vector.broadcast %jit3A_1503 : f32 to vector<16xf32>
      %select_n3A_1505 = arith.select %eq3A_1502, %get3A_1499, %broadcast_in_dim3A_1504 : vector<16xi1>, vector<16xf32>
      %max3A_1506 = arith.maximumf %max3A_1494, %select_n3A_1505 : vector<16xf32>
      %get3A_1507 = arith.constant 121 : i32
      %get3A_1508 = arith.index_cast %get3A_1507 : i32 to index
      %get3A_1509 = arith.constant 112 : index
      %get3A_1510 = tpu.vector_load %arg4[%get3A_1508, %get3A_1509] {strides = array<i32>} : memref<128x128xf32, #tpu.memory_space<vmem>>, vector<1x16xf32>,
      %get3A_1511 = vector.shape_cast %get3A_1510 : vector<1x16xf32> to vector<16xf32>
      %eq3A_1512 = arith.constant 9 : i32
      %eq3A_1513 = vector.broadcast %eq3A_1512 : i32 to vector<16xi32>
      %eq3A_1514 = arith.cmpi eq, %iota3A, %eq3A_1513 : vector<16xi32>
      %jit3A_1515 = arith.constant 0xFF800000 : f32
      %broadcast_in_dim3A_1516 = vector.broadcast %jit3A_1515 : f32 to vector<16xf32>
      %select_n3A_1517 = arith.select %eq3A_1514, %get3A_1511, %broadcast_in_dim3A_1516 : vector<16xi1>, vector<16xf32>
      %max3A_1518 = arith.maximumf %max3A_1506, %select_n3A_1517 : vector<16xf32>
      %get3A_1519 = arith.constant 122 : i32
      %get3A_1520 = arith.index_cast %get3A_1519 : i32 to index
      %get3A_1521 = arith.constant 112 : index
      %get3A_1522 = tpu.vector_load %arg4[%get3A_1520, %get3A_1521] {strides = array<i32>} : memref<128x128xf32, #tpu.memory_space<vmem>>, vector<1x16xf32>,
      %get3A_1523 = vector.shape_cast %get3A_1522 : vector<1x16xf32> to vector<16xf32>
      %eq3A_1524 = arith.constant 10 : i32
      %eq3A_1525 = vector.broadcast %eq3A_1524 : i32 to vector<16xi32>
      %eq3A_1526 = arith.cmpi eq, %iota3A, %eq3A_1525 : vector<16xi32>
      %jit3A_1527 = arith.constant 0xFF800000 : f32
      %broadcast_in_dim3A_1528 = vector.broadcast %jit3A_1527 : f32 to vector<16xf32>
      %select_n3A_1529 = arith.select %eq3A_1526, %get3A_1523, %broadcast_in_dim3A_1528 : vector<16xi1>, vector<16xf32>
      %max3A_1530 = arith.maximumf %max3A_1518, %select_n3A_1529 : vector<16xf32>
      %get3A_1531 = arith.constant 123 : i32
      %get3A_1532 = arith.index_cast %get3A_1531 : i32 to index
      %get3A_1533 = arith.constant 112 : index
      %get3A_1534 = tpu.vector_load %arg4[%get3A_1532, %get3A_1533] {strides = array<i32>} : memref<128x128xf32, #tpu.memory_space<vmem>>, vector<1x16xf32>,
      %get3A_1535 = vector.shape_cast %get3A_1534 : vector<1x16xf32> to vector<16xf32>
      %eq3A_1536 = arith.constant 11 : i32
      %eq3A_1537 = vector.broadcast %eq3A_1536 : i32 to vector<16xi32>
      %eq3A_1538 = arith.cmpi eq, %iota3A, %eq3A_1537 : vector<16xi32>
      %jit3A_1539 = arith.constant 0xFF800000 : f32
      %broadcast_in_dim3A_1540 = vector.broadcast %jit3A_1539 : f32 to vector<16xf32>
      %select_n3A_1541 = arith.select %eq3A_1538, %get3A_1535, %broadcast_in_dim3A_1540 : vector<16xi1>, vector<16xf32>
      %max3A_1542 = arith.maximumf %max3A_1530, %select_n3A_1541 : vector<16xf32>
      %get3A_1543 = arith.constant 124 : i32
      %get3A_1544 = arith.index_cast %get3A_1543 : i32 to index
      %get3A_1545 = arith.constant 112 : index
      %get3A_1546 = tpu.vector_load %arg4[%get3A_1544, %get3A_1545] {strides = array<i32>} : memref<128x128xf32, #tpu.memory_space<vmem>>, vector<1x16xf32>,
      %get3A_1547 = vector.shape_cast %get3A_1546 : vector<1x16xf32> to vector<16xf32>
      %eq3A_1548 = arith.constant 12 : i32
      %eq3A_1549 = vector.broadcast %eq3A_1548 : i32 to vector<16xi32>
      %eq3A_1550 = arith.cmpi eq, %iota3A, %eq3A_1549 : vector<16xi32>
      %jit3A_1551 = arith.constant 0xFF800000 : f32
      %broadcast_in_dim3A_1552 = vector.broadcast %jit3A_1551 : f32 to vector<16xf32>
      %select_n3A_1553 = arith.select %eq3A_1550, %get3A_1547, %broadcast_in_dim3A_1552 : vector<16xi1>, vector<16xf32>
      %max3A_1554 = arith.maximumf %max3A_1542, %select_n3A_1553 : vector<16xf32>
      %get3A_1555 = arith.constant 125 : i32
      %get3A_1556 = arith.index_cast %get3A_1555 : i32 to index
      %get3A_1557 = arith.constant 112 : index
      %get3A_1558 = tpu.vector_load %arg4[%get3A_1556, %get3A_1557] {strides = array<i32>} : memref<128x128xf32, #tpu.memory_space<vmem>>, vector<1x16xf32>,
      %get3A_1559 = vector.shape_cast %get3A_1558 : vector<1x16xf32> to vector<16xf32>
      %eq3A_1560 = arith.constant 13 : i32
      %eq3A_1561 = vector.broadcast %eq3A_1560 : i32 to vector<16xi32>
      %eq3A_1562 = arith.cmpi eq, %iota3A, %eq3A_1561 : vector<16xi32>
      %jit3A_1563 = arith.constant 0xFF800000 : f32
      %broadcast_in_dim3A_1564 = vector.broadcast %jit3A_1563 : f32 to vector<16xf32>
      %select_n3A_1565 = arith.select %eq3A_1562, %get3A_1559, %broadcast_in_dim3A_1564 : vector<16xi1>, vector<16xf32>
      %max3A_1566 = arith.maximumf %max3A_1554, %select_n3A_1565 : vector<16xf32>
      %get3A_1567 = arith.constant 126 : i32
      %get3A_1568 = arith.index_cast %get3A_1567 : i32 to index
      %get3A_1569 = arith.constant 112 : index
      %get3A_1570 = tpu.vector_load %arg4[%get3A_1568, %get3A_1569] {strides = array<i32>} : memref<128x128xf32, #tpu.memory_space<vmem>>, vector<1x16xf32>,
      %get3A_1571 = vector.shape_cast %get3A_1570 : vector<1x16xf32> to vector<16xf32>
      %eq3A_1572 = arith.constant 14 : i32
      %eq3A_1573 = vector.broadcast %eq3A_1572 : i32 to vector<16xi32>
      %eq3A_1574 = arith.cmpi eq, %iota3A, %eq3A_1573 : vector<16xi32>
      %jit3A_1575 = arith.constant 0xFF800000 : f32
      %broadcast_in_dim3A_1576 = vector.broadcast %jit3A_1575 : f32 to vector<16xf32>
      %select_n3A_1577 = arith.select %eq3A_1574, %get3A_1571, %broadcast_in_dim3A_1576 : vector<16xi1>, vector<16xf32>
      %max3A_1578 = arith.maximumf %max3A_1566, %select_n3A_1577 : vector<16xf32>
      %get3A_1579 = arith.constant 127 : i32
      %get3A_1580 = arith.index_cast %get3A_1579 : i32 to index
      %get3A_1581 = arith.constant 112 : index
      %get3A_1582 = tpu.vector_load %arg4[%get3A_1580, %get3A_1581] {strides = array<i32>} : memref<128x128xf32, #tpu.memory_space<vmem>>, vector<1x16xf32>,
      %get3A_1583 = vector.shape_cast %get3A_1582 : vector<1x16xf32> to vector<16xf32>
      %eq3A_1584 = arith.constant 15 : i32
      %eq3A_1585 = vector.broadcast %eq3A_1584 : i32 to vector<16xi32>
      %eq3A_1586 = arith.cmpi eq, %iota3A, %eq3A_1585 : vector<16xi32>
      %jit3A_1587 = arith.constant 0xFF800000 : f32
      %broadcast_in_dim3A_1588 = vector.broadcast %jit3A_1587 : f32 to vector<16xf32>
      %select_n3A_1589 = arith.select %eq3A_1586, %get3A_1583, %broadcast_in_dim3A_1588 : vector<16xi1>, vector<16xf32>
      %max3A_1590 = arith.maximumf %max3A_1578, %select_n3A_1589 : vector<16xf32>
      scf.yield %max3A_1590 : vector<16xf32>
    }
    %scan3A_43 = arith.constant 8 : i32
    %swap3A = arith.constant 0 : index
    %swap3A_44 = tpu.vector_load %arg5[%swap3A] {strides = array<i32>} : memref<16xf32, #tpu.memory_space<vmem>>, vector<16xf32>,
    %swap3A_45 = vector.shape_cast %swap3A_44 : vector<16xf32> to vector<16xf32>
    %swap3A_46 = vector.shape_cast %scan3A_42 : vector<16xf32> to vector<16xf32>
    tpu.vector_store %arg5[%swap3A], %swap3A_46 {strides = array<i32>} : memref<16xf32, #tpu.memory_space<vmem>>, vector<16xf32>,
    "tpu.region"() ({
      %run_scoped3A = tpu.sem_alloc : memref<!tpu.dma_semaphore, #tpu.memory_space<semaphore_mem>>
      %dma_start3A = arith.constant 0 : i32
      %dma_start3A_47 = tpu.memref_slice %arg3[%add3A, %dma_start3A] : memref<32x16xf32, #tpu.memory_space<hbm>> -> memref<1x16xf32, #tpu.memory_space<hbm>>
      %dma_start3A_48 = tpu.memref_squeeze %dma_start3A_47 : memref<1x16xf32, #tpu.memory_space<hbm>> -> memref<16xf32, #tpu.memory_space<hbm>>
      %dma_start3A_49 = arith.constant 0 : i32
      %dma_start3A_50 = tpu.memref_slice %arg3[%add3A, %dma_start3A_49] : memref<32x16xf32, #tpu.memory_space<hbm>> -> memref<1x16xf32, #tpu.memory_space<hbm>>
      %dma_start3A_51 = tpu.memref_squeeze %dma_start3A_50 : memref<1x16xf32, #tpu.memory_space<hbm>> -> memref<16xf32, #tpu.memory_space<hbm>>
      tpu.enqueue_dma source(%arg5 : memref<16xf32, #tpu.memory_space<vmem>>) target(%dma_start3A_51 : memref<16xf32, #tpu.memory_space<hbm>>) target_semaphore(%run_scoped3A : memref<!tpu.dma_semaphore, #tpu.memory_space<semaphore_mem>>)
      %dma_wait3A = arith.constant 0 : i32
      %dma_wait3A_52 = tpu.memref_slice %arg3[%add3A, %dma_wait3A] : memref<32x16xf32, #tpu.memory_space<hbm>> -> memref<1x16xf32, #tpu.memory_space<hbm>>
      %dma_wait3A_53 = tpu.memref_squeeze %dma_wait3A_52 : memref<1x16xf32, #tpu.memory_space<hbm>> -> memref<16xf32, #tpu.memory_space<hbm>>
      %dma_wait3A_54 = arith.constant 0 : i32
      %dma_wait3A_55 = tpu.memref_slice %arg3[%add3A, %dma_wait3A_54] : memref<32x16xf32, #tpu.memory_space<hbm>> -> memref<1x16xf32, #tpu.memory_space<hbm>>
      %dma_wait3A_56 = tpu.memref_squeeze %dma_wait3A_55 : memref<1x16xf32, #tpu.memory_space<hbm>> -> memref<16xf32, #tpu.memory_space<hbm>>
      tpu.wait_dma2 semaphore(%run_scoped3A : memref<!tpu.dma_semaphore, #tpu.memory_space<semaphore_mem>>) src(%arg5 : memref<16xf32, #tpu.memory_space<vmem>>) dst(%dma_wait3A_56 : memref<16xf32, #tpu.memory_space<hbm>>)
      tpu.yield
    }) : () -> ()
    return
  }
}

module attributes {stable_mosaic.version = 14 : i64} {
  func.func @_tc_body(%arg0: i32, %arg1: i32, %arg2: memref<1x1024x2048xf32, #tpu.memory_space<vmem>>, %arg3: memref<1x1x128xf32, #tpu.memory_space<vmem>>) attributes {dimension_semantics = [#tpu.dimension_semantics<arbitrary>, #tpu.dimension_semantics<arbitrary>], iteration_bounds = array<i64: 16, 2>, scalar_prefetch = 0 : i64, scratch_operands = 0 : i64, tpu.core_type = #tpu.core_type<tc>, window_params = [{transform_indices = @transform_0, window_bounds = array<i64: 1, 1024, 2048>}, {transform_indices = @transform_1, window_bounds = array<i64: 1, 1, 128>}]} {
    %get3A = arith.constant 0 : index
    %get3A_0 = arith.constant 0 : index
    %get3A_1 = arith.constant 0 : index
    %get3A_2 = vector.load %arg2[%get3A, %get3A_0, %get3A_1] : memref<1x1024x2048xf32, #tpu.memory_space<vmem>>, vector<1x1024x2048xf32>
    %get3A_3 = vector.shape_cast %get3A_2 : vector<1x1024x2048xf32> to vector<1024x2048xf32>
    %mul3A = arith.constant 1024 : i32
    %mul3A_4 = arith.muli %arg1, %mul3A : i32
    %get3A_5 = arith.constant 0 : index
    %get3A_6 = arith.constant 0 : index
    %get3A_7 = arith.index_cast %mul3A_4 : i32 to index
    %get3A_8 = vector.load %arg2[%get3A_5, %get3A_6, %get3A_7] : memref<1x1024x2048xf32, #tpu.memory_space<vmem>>, vector<1x1024x1024xf32>
    %get3A_9 = vector.shape_cast %get3A_8 : vector<1x1024x1024xf32> to vector<1024x1024xf32>
    %iota3A = tpu.iota {dimensions = array<i32: 0>} : vector<1024x1024xi32>
    %iota3A_10 = tpu.iota {dimensions = array<i32: 1>} : vector<1024x1024xi32>
    %eq3A = arith.cmpi eq, %iota3A, %iota3A_10 : vector<1024x1024xi32>
    %jit3A = arith.constant 0xFF800000 : f32
    %broadcast_in_dim3A = vector.broadcast %jit3A : f32 to vector<1024x1024xf32>
    %select_n3A = arith.select %eq3A, %broadcast_in_dim3A, %get3A_9 : vector<1024x1024xi1>, vector<1024x1024xf32>
    %reduce_max3A = vector.shape_cast %select_n3A : vector<1024x1024xf32> to vector<1x1024x1024xf32>
    %reduce_max3A_11 = arith.constant dense<0xFF800000> : vector<1xf32>
    %reduce_max3A_12 = vector.multi_reduction <maximumf>, %reduce_max3A, %reduce_max3A_11 [1, 2] : vector<1x1024x1024xf32> to vector<1xf32>
    %reduce_max3A_13 = vector.shape_cast %reduce_max3A_12 : vector<1xf32> to vector<1x1x1xf32>
    %reduce_max3A_14 = vector.extract %reduce_max3A_13[0, 0, 0] : f32 from vector<1x1x1xf32>
    %reduce_max3A_15 = arith.constant dense<0xFF800000> : vector<2048xf32>
    %reduce_max3A_16 = vector.multi_reduction <maximumf>, %get3A_3, %reduce_max3A_15 [0] : vector<1024x2048xf32> to vector<2048xf32>
    %broadcast_in_dim3A_17 = vector.shape_cast %reduce_max3A_16 : vector<2048xf32> to vector<1x2048xf32>
    %iota3A_18 = tpu.iota {dimensions = array<i32: 1>} : vector<1x2048xi32>
    %jit3A_19 = arith.constant 1024 : i32
    %div3A = vector.broadcast %jit3A_19 : i32 to vector<1x2048xi32>
    %div3A_20 = arith.divsi %iota3A_18, %div3A : vector<1x2048xi32>
    %sign3A = arith.constant 0 : i32
    %sign3A_21 = vector.broadcast %sign3A : i32 to vector<1x2048xi32>
    %sign3A_22 = arith.cmpi sgt, %iota3A_18, %sign3A_21 : vector<1x2048xi32>
    %sign3A_23 = arith.extui %sign3A_22 : vector<1x2048xi1> to vector<1x2048xi32>
    %sign3A_24 = arith.constant 0 : i32
    %sign3A_25 = vector.broadcast %sign3A_24 : i32 to vector<1x2048xi32>
    %sign3A_26 = arith.cmpi slt, %iota3A_18, %sign3A_25 : vector<1x2048xi32>
    %sign3A_27 = arith.extui %sign3A_26 : vector<1x2048xi1> to vector<1x2048xi32>
    %sign3A_28 = arith.subi %sign3A_23, %sign3A_27 : vector<1x2048xi32>
    %sign3A_29 = arith.constant 0 : i32
    %sign3A_30 = arith.cmpi sgt, %jit3A_19, %sign3A_29 : i32
    %sign3A_31 = arith.extui %sign3A_30 : i1 to i32
    %sign3A_32 = arith.constant 0 : i32
    %sign3A_33 = arith.cmpi slt, %jit3A_19, %sign3A_32 : i32
    %sign3A_34 = arith.extui %sign3A_33 : i1 to i32
    %sign3A_35 = arith.subi %sign3A_31, %sign3A_34 : i32
    %ne3A = vector.broadcast %sign3A_35 : i32 to vector<1x2048xi32>
    %ne3A_36 = arith.cmpi ne, %sign3A_28, %ne3A : vector<1x2048xi32>
    %rem3A = vector.broadcast %jit3A_19 : i32 to vector<1x2048xi32>
    %rem3A_37 = arith.remsi %iota3A_18, %rem3A : vector<1x2048xi32>
    %ne3A_38 = arith.constant 0 : i32
    %ne3A_39 = vector.broadcast %ne3A_38 : i32 to vector<1x2048xi32>
    %ne3A_40 = arith.cmpi ne, %rem3A_37, %ne3A_39 : vector<1x2048xi32>
    %and3A = arith.andi %ne3A_36, %ne3A_40 : vector<1x2048xi1>
    %sub3A = arith.constant 1 : i32
    %sub3A_41 = vector.broadcast %sub3A : i32 to vector<1x2048xi32>
    %sub3A_42 = arith.subi %div3A_20, %sub3A_41 : vector<1x2048xi32>
    %select_n3A_43 = arith.select %and3A, %sub3A_42, %div3A_20 : vector<1x2048xi1>, vector<1x2048xi32>
    %eq3A_44 = vector.broadcast %arg1 : i32 to vector<1x2048xi32>
    %eq3A_45 = arith.cmpi eq, %select_n3A_43, %eq3A_44 : vector<1x2048xi32>
    %jit3A_46 = arith.constant 0xFF800000 : f32
    %broadcast_in_dim3A_47 = vector.broadcast %jit3A_46 : f32 to vector<1x2048xf32>
    %select_n3A_48 = arith.select %eq3A_45, %broadcast_in_dim3A_47, %broadcast_in_dim3A_17 : vector<1x2048xi1>, vector<1x2048xf32>
    %reduce_max3A_49 = vector.shape_cast %select_n3A_48 : vector<1x2048xf32> to vector<1x1x2048xf32>
    %reduce_max3A_50 = arith.constant dense<0xFF800000> : vector<1xf32>
    %reduce_max3A_51 = vector.multi_reduction <maximumf>, %reduce_max3A_49, %reduce_max3A_50 [1, 2] : vector<1x1x2048xf32> to vector<1xf32>
    %reduce_max3A_52 = vector.shape_cast %reduce_max3A_51 : vector<1xf32> to vector<1x1x1xf32>
    %reduce_max3A_53 = vector.extract %reduce_max3A_52[0, 0, 0] : f32 from vector<1x1x1xf32>
    %max3A = arith.maximumf %reduce_max3A_53, %reduce_max3A_14 : f32
    %eq3A_54 = arith.constant 0 : i32
    %eq3A_55 = arith.cmpi eq, %arg1, %eq3A_54 : i32
    %convert_element_type3A = arith.extui %eq3A_55 : i1 to i32
    %cond3A = arith.constant 0 : i32
    %cond3A_56 = arith.cmpi ne, %convert_element_type3A, %cond3A : i32
    scf.if %cond3A_56 {
      %broadcast_in_dim3A_66 = arith.constant 0xFF800000 : f32
      %broadcast_in_dim3A_67 = vector.broadcast %broadcast_in_dim3A_66 : f32 to vector<1x1x128xf32>
      %swap3A_68 = arith.constant 0 : index
      %swap3A_69 = arith.constant 0 : index
      %swap3A_70 = arith.constant 0 : index
      %swap3A_71 = vector.load %arg3[%swap3A_68, %swap3A_69, %swap3A_70] : memref<1x1x128xf32, #tpu.memory_space<vmem>>, vector<1x1x128xf32>
      tpu.vector_store %arg3[%swap3A_68, %swap3A_69, %swap3A_70], %broadcast_in_dim3A_67 {strides = array<i32>} : memref<1x1x128xf32, #tpu.memory_space<vmem>>, vector<1x1x128xf32>,
    } else {
    }
    %get3A_57 = arith.constant 0 : index
    %get3A_58 = arith.constant 0 : index
    %get3A_59 = arith.constant 0 : index
    %get3A_60 = vector.load %arg3[%get3A_57, %get3A_58, %get3A_59] : memref<1x1x128xf32, #tpu.memory_space<vmem>>, vector<1x1x128xf32>
    %max3A_61 = vector.broadcast %max3A : f32 to vector<1x1x128xf32>
    %max3A_62 = arith.maximumf %get3A_60, %max3A_61 : vector<1x1x128xf32>
    %swap3A = arith.constant 0 : index
    %swap3A_63 = arith.constant 0 : index
    %swap3A_64 = arith.constant 0 : index
    %swap3A_65 = vector.load %arg3[%swap3A, %swap3A_63, %swap3A_64] : memref<1x1x128xf32, #tpu.memory_space<vmem>>, vector<1x1x128xf32>
    tpu.vector_store %arg3[%swap3A, %swap3A_63, %swap3A_64], %max3A_62 {strides = array<i32>} : memref<1x1x128xf32, #tpu.memory_space<vmem>>, vector<1x1x128xf32>,
    return
  }
  func.func @transform_0(%arg0: i32, %arg1: i32) -> (i32, i32, i32) {
    %c0_i32 = arith.constant 0 : i32
    %c0_i32_0 = arith.constant 0 : i32
    return %arg0, %arg1, %c0_i32 : i32, i32, i32
  }
  func.func @transform_1(%arg0: i32, %arg1: i32) -> (i32, i32, i32) {
    %c0_i32 = arith.constant 0 : i32
    %c0_i32_0 = arith.constant 0 : i32
    %c0_i32_1 = arith.constant 0 : i32
    return %arg0, %c0_i32, %c0_i32_0 : i32, i32, i32
  }
}

</mosaic_0001>

<sc_bundles>
// kernel: kernel.4.cloned.1.call-start
scs
__scs_entry_jumppad:
0x0: {  	(pc) =	sbr.rel $0x88, $3  }
0x1: {  	(tag) =	ssettag $0x0;
	lr =	simm.s32 $0x1  }
0x2: {  	[smem:$0x3FA0] =	sst lr;
	_ =	strace $0xD0000000  }
0x3: {  	_ = 	snop  }
0x4: {  	_ = 	snop  }
0x5: {  	_ = 	snop  }
0x6: {  	_ = 	snop  }
0x7: {  	_ = 	snop  }
__scs_overlays_trampoline_lowered:
0x8: {  	[smem:$0x3FAF] =	sst s0  }
0x9: {  	[smem:$0x3FB0] =	sst s1  }
0xa: {  	[smem:$0x3FB1] =	sst s2  }
0xb: {  	[smem:$0x3FB2] =	sst s3  }
0xc: {  	[smem:$0x3FB3] =	sst s4  }
0xd: {  	[smem:$0x3FB4] =	sst s5  }
0xe: {  	[smem:$0x3FB5] =	sst s6  }
0xf: {  	[smem:$0x3FB6] =	sst s7  }
0x10: {  	[smem:$0x3FB7] =	sst s8  }
0x11: {  	[smem:$0x3FB8] =	sst s9;
	s0 =	simm.s32 @!p0 $0x0  }
0x12: {  	s1 =	sld [smem:$0x3F9E];
	s0 =	simm.s32 @p0 $0x1  }
0x13: {  	[smem:$0x3FB9] =	sst s0;
	s0 =	simm.s32 @!p1 $0x0  }
0x14: {  	s2 =	sld [smem:$0x3F9D];
	s0 =	simm.s32 @p1 $0x1  }
0x15: {  	[smem:$0x3FBA] =	sst s0;
	s0 =	simm.s32 @!p2 $0x0  }
0x16: {  	s3 =	sld [smem:$0x3FDB];
	s0 =	simm.s32 @p2 $0x1  }
0x17: {  	s4 =	simm.s32 $0x1BF5;
	[smem:$0x3FBC] =	sst s0  }
0x18: {  	s0 =	sld [smem:$0x3F9F];
	_ =	swait.ge [sflag:s4], $0x0  }
0x19: {  	s7 =	sld [smem:$0x3FA0]  }
0x1a: {  	s8 =	sadd.s32 $0xFFFFE003, lr  }
0x1b: {  	s9 =	sadd.s32 $0xFFFFFEF7, lr;
	s5 =	simm.s32 $0xFFFFFFFF;
	p2 =	slt.u32 s8, $0xFFFFF086  }
0x1c: {  	p1 =	slt.u32 s9, $0xF7A;
	s5 =	simm.s32 @!p2 $0x0  }
0x1d: {  	s5 =	simm.s32 @p1 $0x1;
	p0 =	seq.s32 s7, s2  }
0x1e: {  	s7 =	smul.u32 @!p0 $0xF7A, s2;
	p2 =	seq.s32 @!p0 s5, $0x0  }
0x1f: {  	s9 =	smul.u32 $0xF7A, s1;
	s8 =	simm.s32 @!p0 $0x1BF5;
	p2 =	por !p2, p0  }
0x20: {  	[sflag:s8] =	ssyncset.s32 @!p0 $0xFFFFF086;
	s6 =	sadd.s32 @!p0 s3, s7;
	s7 =	simm.s32 @!p0 $0x108  }
0x21: {  	s3 =	sadd.s32 s3, s9;
	s6 =	sadd.s32 @!p0 $0x88, s6;
	s7 =	simm.s32 @p2 $0x1082  }
0x22: {  	[simem:s7], [sflag:s8] =	dma.local @!p0 [hbm:s6], $0xF7A  }
0x23: {  	s9 =	sor.u32 $0xD0000000, s2;
	s6 =	simm.s32 $0x108;
	_ =	swait.ge @!p0 [sflag:s8], $0x0  }
0x24: {  	s3 =	sadd.s32 $0x88, s3;
	s6 =	simm.s32 @!p1 $0x1082;
	[sflag:s4] =	ssyncset.s32 $0xFFFFF086  }
0x25: {  	[simem:s6], [sflag:s4] =	dma.local [hbm:s3], $0xF7A  }
0x26: {  	[smem:$0x3FA0] =	sst s1;
	(tag) =	ssettag s2;
	_ =	strace s9  }
0x27: {  	s1 =	sld [smem:$0x3FB0]  }
0x28: {  	s2 =	sld [smem:$0x3FB1]  }
0x29: {  	s4 =	sld [smem:$0x3FB3]  }
0x2a: {  	p0 =	seq.s32 s5, $0x0;
	s5 =	sld [smem:$0x3FB4]  }
0x2b: {  	s6 =	sld [smem:$0x3FB5]  }
0x2c: {  	s7 =	sld [smem:$0x3FB6]  }
0x2d: {  	s3 =	simm.s32 $0x108;
	s8 =	sld [smem:$0x3FB7]  }
0x2e: {  	s3 =	simm.s32 @!p0 $0x1082;
	s9 =	sld [smem:$0x3FB8]  }
0x2f: {  	lr =	sadd.s32 s0, s3;
	s0 =	sld [smem:$0x3FAF]  }
0x30: {  	s3 =	sld [smem:$0x3FB2]  }
0x31: {  	[smem:$0x3FBB] =	sst s10  }
0x32: {  	s10 =	sld [smem:$0x3FB9];
	_ =	sdelay $0x3  }
0x33: {  	p0 =	seq.s32 s10, $0x1;
	s10 =	sld [smem:$0x3FBB];
	_ =	sdelay $0x3  }
0x34: {  	[smem:$0x3FBB] =	sst s10  }
0x35: {  	s10 =	sld [smem:$0x3FBA];
	_ =	sdelay $0x3  }
0x36: {  	p1 =	seq.s32 s10, $0x1;
	s10 =	sld [smem:$0x3FBB];
	_ =	sdelay $0x3  }
0x37: {  	[smem:$0x3FBB] =	sst s10  }
0x38: {  	s10 =	sld [smem:$0x3FBC]  }
0x39: {  	_ = 	snop;
	(pc) =	sbr.ind lr, $3  }
0x3a: {  	_ = 	snop  }
0x3b: {  	_ = 	snop  }
0x3c: {  	p2 =	seq.s32 s10, $0x1;
	s10 =	sld [smem:$0x3FBB]  }
0x3d: {  	_ =	shalt  }
0x3e: {  	_ =	shalt  }
0x3f: {  	_ =	shalt  }
0x40: {  	_ =	shalt  }
0x41: {  	_ =	shalt  }
0x42: {  	_ =	shalt  }
0x43: {  	_ =	shalt  }
0x44: {  	_ =	shalt  }
0x45: {  	_ =	shalt  }
0x46: {  	_ =	shalt  }
0x47: {  	_ =	shalt  }
0x48: {  	_ =	shalt  }
0x49: {  	_ =	shalt  }
0x4a: {  	_ =	shalt  }
0x4b: {  	_ =	shalt  }
0x4c: {  	_ =	shalt  }
0x4d: {  	_ =	shalt  }
0x4e: {  	_ =	shalt  }
0x4f: {  	_ =	shalt  }
0x50: {  	_ =	shalt  }
0x51: {  	_ =	shalt  }
0x52: {  	_ =	shalt  }
0x53: {  	_ =	shalt  }
0x54: {  	_ =	shalt  }
0x55: {  	_ =	shalt  }
0x56: {  	_ =	shalt  }
0x57: {  	_ =	shalt  }
0x58: {  	_ =	shalt  }
0x59: {  	_ =	shalt  }
0x5a: {  	_ =	shalt  }
0x5b: {  	_ =	shalt  }
0x5c: {  	_ =	shalt  }
0x5d: {  	_ =	shalt  }
0x5e: {  	_ =	shalt  }
0x5f: {  	_ =	shalt  }
0x60: {  	_ =	shalt  }
0x61: {  	_ =	shalt  }
0x62: {  	_ =	shalt  }
0x63: {  	_ =	shalt  }
0x64: {  	_ =	shalt  }
0x65: {  	_ =	shalt  }
0x66: {  	_ =	shalt  }
0x67: {  	_ =	shalt  }
0x68: {  	_ =	shalt  }
0x69: {  	_ =	shalt  }
0x6a: {  	_ =	shalt  }
0x6b: {  	_ =	shalt  }
0x6c: {  	_ =	shalt  }
0x6d: {  	_ =	shalt  }
0x6e: {  	_ =	shalt  }
0x6f: {  	_ =	shalt  }
0x70: {  	_ =	shalt  }
0x71: {  	_ =	shalt  }
0x72: {  	_ =	shalt  }
0x73: {  	_ =	shalt  }
0x74: {  	_ =	shalt  }
0x75: {  	_ =	shalt  }
0x76: {  	_ =	shalt  }
0x77: {  	_ =	shalt  }
0x78: {  	_ =	shalt  }
0x79: {  	_ =	shalt  }
0x7a: {  	_ =	shalt  }
0x7b: {  	_ =	shalt  }
0x7c: {  	_ =	shalt  }
0x7d: {  	_ =	shalt  }
0x7e: {  	_ =	shalt  }
0x7f: {  	_ =	shalt  }
0x80: {  	_ =	shalt  }
0x81: {  	_ =	shalt  }
0x82: {  	_ =	shalt  }
0x83: {  	_ =	shalt  }
0x84: {  	_ =	shalt  }
0x85: {  	_ =	shalt  }
0x86: {  	_ =	shalt  }
0x87: {  	_ =	shalt  }
.Lfunc_end0:
.L_simem_size_0:
called_computation_lowered:
.L_overlay_start_0:
0x88: {  	s2 =	sld [smem:$0x3FD9]  }
0x89: {  	s3 =	sld [smem:$0x3FFE];
	_ =	sdelay $0x1  }
0x8a: {  	s1 =	srdreg.scid  }
0x8b: {  	s0 =	sand.u32 $0x1, s1  }
0x8c: {  	s17 =	sshll.u32 s0, $0xA;
	s2 =	sadd.s32 s3, s2  }
0x8d: {  	s2 =	sadd.s32 s2, s17  }
0x8e: {  	[smem:$0x3FC7] =	sst s2  }
0x8f: {  	_ = 	snop  }
0x90: {  	s2 =	sld [smem:$0x3FC9];
	(tm) =	ssettm $0x1  }
0x91: {  	s18 =	sld [smem:$0x3FFB];
	_ =	sdelay $0x3  }
0x92: {  	_ =	strace s18  }
0x93: {  	s3 =	sld [smem:$0x3FFC];
	_ =	sdelay $0x3  }
0x94: {  	_ =	strace s3  }
0x95: {  	s3 =	sld [smem:$0x3FFD];
	_ =	sdelay $0x3  }
0x96: {  	_ =	strace s3  }
0x97: {  	_ =	strace $0x8FFFFFFF  }
0x98: {  	s19 =	sld [smem:$0x3FDB];
	_ =	sdelay $0x1  }
0x99: {  	s4 =	simm.s32 $_scs_section_size  }
0x9a: {  	s5 =	simm.s32 $_size__tile_overlayer_lowered;
	s6 =	simm.s32 $_tile_overlayer_lowered  }
0x9b: {  	s22 =	simm.s32 $0x1BFF;
	s21 =	sshll.u32 s6, $0x1;
	s3 =	sadd.s32 s4, s19  }
0x9c: {  	s7 =	simm.s32 $0x0;
	s20 =	sshll.u32 s5, $0x1;
	s5 =	sadd.s32 s21, s3  }
0x9d: {  	[timem:s7], [sflag:s22] =	dma.local [hbm:s5], s20  }
0x9e: {  	_ =	swait.ge [sflag:s22], s20  }
0x9f: {  	s4 =	ssub.s32 $0x0, s20;
	[sflag:s22] =	ssyncset.done $0x0  }
0xa0: {  	[sflag:s22] =	ssyncadd.s32 s4;
	_ =	sdelay $0x1  }
0xa1: {  	s23 =	simm.s32 $0x1B8B  }
0xa2: {  	_ =	swait.ge [sflag:s23], $0x1  }
0xa3: {  	[sflag:s23] =	ssyncset.done $0x0  }
0xa4: {  	s25 =	simm.s32 $0x1B8E;
	s24 =	sld [smem:$0x3FFE];
	[sflag:s23] =	ssyncadd.s32 $0xFFFFFFFF  }
0xa5: {  	s26 =	simm.s32 $execute0_lowered;
	[smem:$0x3FD2] =	sst s25  }
0xa6: {  	s5 =	sshll.u32 s26, $0x1;
	_ =	strace $0x80000046;
	[dreg:$0x1] =	wrdreg $0xFFFFFFFF  }
0xa7: {  	s28 =	simm.s32 $_size_execute0_lowered;
	s3 =	sadd.s32 s3, s5;
	[dreg:$0x0] =	wrdreg $0x0  }
0xa8: {  	s5 =	sshll.u32 s28, $0x1;
	[dreg:$0x2] =	wrdreg s3  }
0xa9: {  	[dreg:$0x3] =	wrdreg s5  }
0xaa: {  	[dreg:$0x4] =	wrdreg $0xC0  }
0xab: {  	_ =	task [dreg:s7], $0x5FFFF  }
0xac: {  	[dreg:$0x1] =	wrdreg $0xFFFFFFFF  }
0xad: {  	[dreg:$0x0] =	wrdreg $0x60  }
0xae: {  	[dreg:$0x2] =	wrdreg s2  }
0xaf: {  	[dreg:$0x3] =	wrdreg s24  }
0xb0: {  	[dreg:$0x4] =	wrdreg $0x9  }
0xb1: {  	_ =	task.clear_ibuf [dreg:s7], $0x5FFFF;
	_ =	strace $0x90000046  }
0xb2: {  	s29 =	simm.s32 $0x9;
	_ =	strace $0x80000048  }
0xb3: {  	_ =	swait.ge [sflag:s29], $0x1  }
0xb4: {  	[sflag:s29] =	ssyncadd.s32 $0xFFFFFFFF  }
0xb5: {  	_ =	strace $0x90000048  }
0xb6: {  	_ =	sfence  }
0xb7: {  	s30 =	sld [smem:$0x0];
	_ =	sdelay $0x2  }
0xb8: {  	s31 =	sshll.u32 s1, $0xD;
	s1 =	sshrl.u32 s1, $0x2  }
0xb9: {  	s3 =	sand.u32 $0x4000, s31;
	s1 =	sadd.s32 s1, s30  }
0xba: {  	s0 =	sor.u32 s3, s0;
	s1 =	sshll.u32 s1, $0x11  }
0xbb: {  	s0 =	sor.u32 s1, s0  }
0xbc: {  	s0 =	sadd.s32 $0x8F2B, s0  }
0xbd: {  	[sflag:s0] =	ssyncadd.remote.s32 $0x1  }
0xbe: {  	_ =	sfence.sel $0xFFFF  }
0xbf: {  	[dreg:$0x0] =	wrdreg $0xFFFFFFFF;
	(pc) =	sbr.abs _section_cstart, $3  }
0xc0: {  	[dreg:$0x1] =	wrdreg $0xFFFFFFFF  }
0xc1: {  	_ =	task.clear_ibuf [dreg:s7], $0x2FFFF;
	_ =	strace $0x9FFFFFFF  }
0xc2: {  	(tm) =	ssettm $0x7FFFFFFF  }
0xc3: {  	_ =	shalt  }
tec
execute0_lowered:
.L_overlay_start_1:
0x0: {  	(tag) =	ssettag $0x1  }
0x1: {  	s1 =	srdreg.scid  }
0x2: {  	s0 =	stileid.u32;
	s5 =	rddreg [dreg:$0x0]  }
0x3: {  	s6 =	rddreg [dreg:$0x1];
	s3 =	sand.u32 $0x1, s1;
	s29 =	sshll.u32 s0, $0x1  }
0x4: {  	s2 =	simm.s32 $0x0;
	s8 =	simm.s32 $0x1;
	s4 =	sor.u32 s3, s29  }
0x5: {  	s1 =	rddreg [dreg:$0x2];
	p1 =	seq.s32 s3, $0x1;
	p0 =	seq.s32 s4, $0x0  }
0x6: {  	s10 =	simm.s32 $0x0;
	[smem:$0x7FF] =	sst s2;
	p0 =	por !p0, !p1  }
0x7: {  	vm0 =	vmmov $0x1;
	s7 =	ssub.s32 $0x2, s3;
	_ =	strace $0x80000047;
	p0 =	por !p0, !p0  }
0x8: {  	vm1 =	vcmask $0x308;
	vm2 =	vcmask $0x70C;
	vm3 =	vcmask $0xB10;
	s30 =	smul.u32 $0x40400, s3;
	s3 =	simm.s32 $0x1;
	s8 =	simm.s32 @!p0 $0x0  }
0x9: {  	vm4 =	vcmask $0xF14;
	vm5 =	vcmask $0x1318;
	vm6 =	vcmask $0x171C;
	s9 =	sshrl.u32 s7, $0x1;
	s4 =	sshll.u32 s4, $0x4;
	s8 =	ssub.s32 s0, s8  }
0xa: {  	vm7 =	vcmask $0x1B20;
	vm8 =	vcmask $0x1F24;
	vm9 =	vcmask $0x2328;
	s7 =	ssub.s32 s7, s9;
	s4 =	sadd.s32 s6, s4;
	s8 =	sshll.u32 s8, $0x13  }
0xb: {  	vm10 =	vcmask $0x272C;
	vm11 =	vcmask $0x2B30;
	vm12 =	vcmask $0x2F34;
	s9 =	simm.s32 $0x2;
	s31 =	sadd.s32 s8, s5;
	s5 =	smax.u32 s7, $0x1  }
0xc: {  	vm13 =	vcmask $0x3338;
	vm14 =	vcmask $0x373C;
	vm15 =	vmmov $0x7fff;
	s7 =	simm.s32 $0x400;
	s8 =	simm.s32 $0x4000;
	s6 =	sadd.s32 s30, s31  }
.LBB2_1:
0xd: {  	[tilespmem:s2], [sflag:$0x1] =	stream.strided.gather [hbm4b:s6+s7], $0x4000, s8, s7, $0x38;
	[tilespmem:$0x4080] =	vst v63  }
0xe: {  	_ =	swait.ge [sflag:s3], $0x4000  }
0xf: {  	[sflag:s3] =	ssyncset.done $0x0  }
0x10: {  	[sflag:s3] =	ssyncadd.s32 $0xFFFFC000  }
0x11: {  	v0 =	vld [tilespmem:$0x0]  }
0x12: {  	v1 =	vld [tilespmem:$0x80]  }
0x13: {  	v2 =	vld [tilespmem:$0x100]  }
0x14: {  	v3 =	vld [tilespmem:$0x180]  }
0x15: {  	v4 =	vld [tilespmem:$0x200]  }
0x16: {  	v5 =	vimm.f32 $-Inf;
	v6 =	vld [tilespmem:$0x280];
	v0 =	vnsel vm0, $0xFF800000, v0  }
0x17: {  	v1 =	vsel vm1, $0xFF800000, v1;
	v0 =	vmax.f32 v5, v0;
	v5 =	vld [tilespmem:$0x300]  }
0x18: {  	v0 =	vmax.f32 v0, v1;
	v1 =	vsel vm2, $0xFF800000, v2;
	v2 =	vld [tilespmem:$0x380]  }
0x19: {  	v0 =	vmax.f32 v0, v1;
	v1 =	vsel vm3, $0xFF800000, v3;
	v3 =	vld [tilespmem:$0x400]  }
0x1a: {  	v0 =	vmax.f32 v0, v1;
	v1 =	vsel vm4, $0xFF800000, v4;
	v4 =	vld [tilespmem:$0x480]  }
0x1b: {  	v0 =	vmax.f32 v0, v1;
	v1 =	vsel vm5, $0xFF800000, v6;
	v6 =	vld [tilespmem:$0x500]  }
0x1c: {  	v0 =	vmax.f32 v0, v1;
	v1 =	vsel vm6, $0xFF800000, v5;
	v5 =	vld [tilespmem:$0x580]  }
0x1d: {  	v0 =	vmax.f32 v0, v1;
	v1 =	vsel vm7, $0xFF800000, v2;
	v2 =	vld [tilespmem:$0x600]  }
0x1e: {  	v0 =	vmax.f32 v0, v1;
	v1 =	vsel vm8, $0xFF800000, v3;
	v3 =	vld [tilespmem:$0x680]  }
0x1f: {  	v0 =	vmax.f32 v0, v1;
	v1 =	vsel vm9, $0xFF800000, v4;
	v4 =	vld [tilespmem:$0x700]  }
0x20: {  	v0 =	vmax.f32 v0, v1;
	v1 =	vsel vm10, $0xFF800000, v6;
	v6 =	vld [tilespmem:$0x780]  }
0x21: {  	v0 =	vmax.f32 v0, v1;
	v1 =	vsel vm11, $0xFF800000, v5;
	v5 =	vld [tilespmem:$0x810]  }
0x22: {  	v0 =	vmax.f32 v0, v1;
	v1 =	vsel vm12, $0xFF800000, v2;
	v2 =	vld [tilespmem:$0x890]  }
0x23: {  	v0 =	vmax.f32 v0, v1;
	v1 =	vsel vm13, $0xFF800000, v3;
	v3 =	vld [tilespmem:$0x910]  }
0x24: {  	v0 =	vmax.f32 v0, v1;
	v1 =	vsel vm14, $0xFF800000, v4;
	v4 =	vld [tilespmem:$0x990]  }
0x25: {  	v0 =	vmax.f32 v0, v1;
	v1 =	vsel vm15, $0xFF800000, v6;
	v6 =	vld [tilespmem:$0xA10]  }
0x26: {  	v0 =	vmax.f32 v0, v1;
	v1 =	vnsel vm0, $0xFF800000, v5;
	v5 =	vld [tilespmem:$0xA90]  }
0x27: {  	v0 =	vmax.f32 v0, v1;
	v1 =	vsel vm1, $0xFF800000, v2;
	v2 =	vld [tilespmem:$0xB10]  }
0x28: {  	v0 =	vmax.f32 v0, v1;
	v1 =	vsel vm2, $0xFF800000, v3;
	v3 =	vld [tilespmem:$0xB90]  }
0x29: {  	v0 =	vmax.f32 v0, v1;
	v1 =	vsel vm3, $0xFF800000, v4;
	v4 =	vld [tilespmem:$0xC10]  }
0x2a: {  	v0 =	vmax.f32 v0, v1;
	v1 =	vsel vm4, $0xFF800000, v6;
	v6 =	vld [tilespmem:$0xC90]  }
0x2b: {  	v0 =	vmax.f32 v0, v1;
	v1 =	vsel vm5, $0xFF800000, v5;
	v5 =	vld [tilespmem:$0xD10]  }
0x2c: {  	v0 =	vmax.f32 v0, v1;
	v1 =	vsel vm6, $0xFF800000, v2;
	v2 =	vld [tilespmem:$0xD90]  }
0x2d: {  	v0 =	vmax.f32 v0, v1;
	v1 =	vsel vm7, $0xFF800000, v3;
	v3 =	vld [tilespmem:$0xE10]  }
0x2e: {  	v0 =	vmax.f32 v0, v1;
	v1 =	vsel vm8, $0xFF800000, v4;
	v4 =	vld [tilespmem:$0xE90]  }
0x2f: {  	v0 =	vmax.f32 v0, v1;
	v1 =	vsel vm9, $0xFF800000, v6;
	v6 =	vld [tilespmem:$0xF10]  }
0x30: {  	v0 =	vmax.f32 v0, v1;
	v1 =	vsel vm10, $0xFF800000, v5;
	v5 =	vld [tilespmem:$0xF90]  }
0x31: {  	v0 =	vmax.f32 v0, v1;
	v1 =	vsel vm11, $0xFF800000, v2;
	v2 =	vld [tilespmem:$0x1020]  }
0x32: {  	v0 =	vmax.f32 v0, v1;
	v1 =	vsel vm12, $0xFF800000, v3;
	v3 =	vld [tilespmem:$0x10A0]  }
0x33: {  	v0 =	vmax.f32 v0, v1;
	v1 =	vsel vm13, $0xFF800000, v4;
	v4 =	vld [tilespmem:$0x1120]  }
0x34: {  	v0 =	vmax.f32 v0, v1;
	v1 =	vsel vm14, $0xFF800000, v6;
	v6 =	vld [tilespmem:$0x11A0]  }
0x35: {  	v0 =	vmax.f32 v0, v1;
	v1 =	vsel vm15, $0xFF800000, v5;
	v5 =	vld [tilespmem:$0x1220]  }
0x36: {  	v0 =	vmax.f32 v0, v1;
	v1 =	vnsel vm0, $0xFF800000, v2;
	v2 =	vld [tilespmem:$0x12A0]  }
0x37: {  	v0 =	vmax.f32 v0, v1;
	v1 =	vsel vm1, $0xFF800000, v3;
	v3 =	vld [tilespmem:$0x1320]  }
0x38: {  	v0 =	vmax.f32 v0, v1;
	v1 =	vsel vm2, $0xFF800000, v4;
	v4 =	vld [tilespmem:$0x13A0]  }
0x39: {  	v0 =	vmax.f32 v0, v1;
	v1 =	vsel vm3, $0xFF800000, v6;
	v6 =	vld [tilespmem:$0x1420]  }
0x3a: {  	v0 =	vmax.f32 v0, v1;
	v1 =	vsel vm4, $0xFF800000, v5;
	v5 =	vld [tilespmem:$0x14A0]  }
0x3b: {  	v0 =	vmax.f32 v0, v1;
	v1 =	vsel vm5, $0xFF800000, v2;
	v2 =	vld [tilespmem:$0x1520]  }
0x3c: {  	v0 =	vmax.f32 v0, v1;
	v1 =	vsel vm6, $0xFF800000, v3;
	v3 =	vld [tilespmem:$0x15A0]  }
0x3d: {  	v0 =	vmax.f32 v0, v1;
	v1 =	vsel vm7, $0xFF800000, v4;
	v4 =	vld [tilespmem:$0x1620]  }
0x3e: {  	v0 =	vmax.f32 v0, v1;
	v1 =	vsel vm8, $0xFF800000, v6;
	v6 =	vld [tilespmem:$0x16A0]  }
0x3f: {  	v0 =	vmax.f32 v0, v1;
	v1 =	vsel vm9, $0xFF800000, v5;
	v5 =	vld [tilespmem:$0x1720]  }
0x40: {  	v0 =	vmax.f32 v0, v1;
	v1 =	vsel vm10, $0xFF800000, v2;
	v2 =	vld [tilespmem:$0x17A0]  }
0x41: {  	v0 =	vmax.f32 v0, v1;
	v1 =	vsel vm11, $0xFF800000, v3;
	v3 =	vld [tilespmem:$0x1830]  }
0x42: {  	v0 =	vmax.f32 v0, v1;
	v1 =	vsel vm12, $0xFF800000, v4;
	v4 =	vld [tilespmem:$0x18B0]  }
0x43: {  	v0 =	vmax.f32 v0, v1;
	v1 =	vsel vm13, $0xFF800000, v6;
	v6 =	vld [tilespmem:$0x1930]  }
0x44: {  	v0 =	vmax.f32 v0, v1;
	v1 =	vsel vm14, $0xFF800000, v5;
	v5 =	vld [tilespmem:$0x19B0]  }
0x45: {  	v0 =	vmax.f32 v0, v1;
	v1 =	vsel vm15, $0xFF800000, v2;
	v2 =	vld [tilespmem:$0x1A30]  }
0x46: {  	v0 =	vmax.f32 v0, v1;
	v1 =	vnsel vm0, $0xFF800000, v3;
	v3 =	vld [tilespmem:$0x1AB0]  }
0x47: {  	v0 =	vmax.f32 v0, v1;
	v1 =	vsel vm1, $0xFF800000, v4;
	v4 =	vld [tilespmem:$0x1B30]  }
0x48: {  	v0 =	vmax.f32 v0, v1;
	v1 =	vsel vm2, $0xFF800000, v6;
	v6 =	vld [tilespmem:$0x1BB0]  }
0x49: {  	v0 =	vmax.f32 v0, v1;
	v1 =	vsel vm3, $0xFF800000, v5;
	v5 =	vld [tilespmem:$0x1C30]  }
0x4a: {  	v0 =	vmax.f32 v0, v1;
	v1 =	vsel vm4, $0xFF800000, v2;
	v2 =	vld [tilespmem:$0x1CB0]  }
0x4b: {  	v0 =	vmax.f32 v0, v1;
	v1 =	vsel vm5, $0xFF800000, v3;
	v3 =	vld [tilespmem:$0x1D30]  }
0x4c: {  	v0 =	vmax.f32 v0, v1;
	v1 =	vsel vm6, $0xFF800000, v4;
	v4 =	vld [tilespmem:$0x1DB0]  }
0x4d: {  	v0 =	vmax.f32 v0, v1;
	v1 =	vsel vm7, $0xFF800000, v6;
	v6 =	vld [tilespmem:$0x1E30]  }
0x4e: {  	v0 =	vmax.f32 v0, v1;
	v1 =	vsel vm8, $0xFF800000, v5;
	v5 =	vld [tilespmem:$0x1EB0]  }
0x4f: {  	v0 =	vmax.f32 v0, v1;
	v1 =	vsel vm9, $0xFF800000, v2;
	v2 =	vld [tilespmem:$0x1F30]  }
0x50: {  	v0 =	vmax.f32 v0, v1;
	v1 =	vsel vm10, $0xFF800000, v3;
	v3 =	vld [tilespmem:$0x1FB0]  }
0x51: {  	v0 =	vmax.f32 v0, v1;
	v1 =	vsel vm11, $0xFF800000, v4;
	v4 =	vld [tilespmem:$0x2040]  }
0x52: {  	v0 =	vmax.f32 v0, v1;
	v1 =	vsel vm12, $0xFF800000, v6;
	v6 =	vld [tilespmem:$0x20C0]  }
0x53: {  	v0 =	vmax.f32 v0, v1;
	v1 =	vsel vm13, $0xFF800000, v5;
	v5 =	vld [tilespmem:$0x2140]  }
0x54: {  	v0 =	vmax.f32 v0, v1;
	v1 =	vsel vm14, $0xFF800000, v2;
	v2 =	vld [tilespmem:$0x21C0]  }
0x55: {  	v0 =	vmax.f32 v0, v1;
	v1 =	vsel vm15, $0xFF800000, v3;
	v3 =	vld [tilespmem:$0x2240]  }
0x56: {  	v0 =	vmax.f32 v0, v1;
	v1 =	vnsel vm0, $0xFF800000, v4;
	v4 =	vld [tilespmem:$0x22C0]  }
0x57: {  	v0 =	vmax.f32 v0, v1;
	v1 =	vsel vm1, $0xFF800000, v6;
	v6 =	vld [tilespmem:$0x2340]  }
0x58: {  	v0 =	vmax.f32 v0, v1;
	v1 =	vsel vm2, $0xFF800000, v5;
	v5 =	vld [tilespmem:$0x23C0]  }
0x59: {  	v0 =	vmax.f32 v0, v1;
	v1 =	vsel vm3, $0xFF800000, v2;
	v2 =	vld [tilespmem:$0x2440]  }
0x5a: {  	v0 =	vmax.f32 v0, v1;
	v1 =	vsel vm4, $0xFF800000, v3;
	v3 =	vld [tilespmem:$0x24C0]  }
0x5b: {  	v0 =	vmax.f32 v0, v1;
	v1 =	vsel vm5, $0xFF800000, v4;
	v4 =	vld [tilespmem:$0x2540]  }
0x5c: {  	v0 =	vmax.f32 v0, v1;
	v1 =	vsel vm6, $0xFF800000, v6;
	v6 =	vld [tilespmem:$0x25C0]  }
0x5d: {  	v0 =	vmax.f32 v0, v1;
	v1 =	vsel vm7, $0xFF800000, v5;
	v5 =	vld [tilespmem:$0x2640]  }
0x5e: {  	v0 =	vmax.f32 v0, v1;
	v1 =	vsel vm8, $0xFF800000, v2;
	v2 =	vld [tilespmem:$0x26C0]  }
0x5f: {  	v0 =	vmax.f32 v0, v1;
	v1 =	vsel vm9, $0xFF800000, v3;
	v3 =	vld [tilespmem:$0x2740]  }
0x60: {  	v0 =	vmax.f32 v0, v1;
	v1 =	vsel vm10, $0xFF800000, v4;
	v4 =	vld [tilespmem:$0x27C0]  }
0x61: {  	v0 =	vmax.f32 v0, v1;
	v1 =	vsel vm11, $0xFF800000, v6;
	v6 =	vld [tilespmem:$0x2850]  }
0x62: {  	v0 =	vmax.f32 v0, v1;
	v1 =	vsel vm12, $0xFF800000, v5;
	v5 =	vld [tilespmem:$0x28D0]  }
0x63: {  	v0 =	vmax.f32 v0, v1;
	v1 =	vsel vm13, $0xFF800000, v2;
	v2 =	vld [tilespmem:$0x2950]  }
0x64: {  	v0 =	vmax.f32 v0, v1;
	v1 =	vsel vm14, $0xFF800000, v3;
	v3 =	vld [tilespmem:$0x29D0]  }
0x65: {  	v0 =	vmax.f32 v0, v1;
	v1 =	vsel vm15, $0xFF800000, v4;
	v4 =	vld [tilespmem:$0x2A50]  }
0x66: {  	v0 =	vmax.f32 v0, v1;
	v1 =	vnsel vm0, $0xFF800000, v6;
	v6 =	vld [tilespmem:$0x2AD0]  }
0x67: {  	v0 =	vmax.f32 v0, v1;
	v1 =	vsel vm1, $0xFF800000, v5;
	v5 =	vld [tilespmem:$0x2B50]  }
0x68: {  	v0 =	vmax.f32 v0, v1;
	v1 =	vsel vm2, $0xFF800000, v2;
	v2 =	vld [tilespmem:$0x2BD0]  }
0x69: {  	v0 =	vmax.f32 v0, v1;
	v1 =	vsel vm3, $0xFF800000, v3;
	v3 =	vld [tilespmem:$0x2C50]  }
0x6a: {  	v0 =	vmax.f32 v0, v1;
	v1 =	vsel vm4, $0xFF800000, v4;
	v4 =	vld [tilespmem:$0x2CD0]  }
0x6b: {  	v0 =	vmax.f32 v0, v1;
	v1 =	vsel vm5, $0xFF800000, v6;
	v6 =	vld [tilespmem:$0x2D50]  }
0x6c: {  	v0 =	vmax.f32 v0, v1;
	v1 =	vsel vm6, $0xFF800000, v5;
	v5 =	vld [tilespmem:$0x2DD0]  }
0x6d: {  	v0 =	vmax.f32 v0, v1;
	v1 =	vsel vm7, $0xFF800000, v2;
	v2 =	vld [tilespmem:$0x2E50]  }
0x6e: {  	v0 =	vmax.f32 v0, v1;
	v1 =	vsel vm8, $0xFF800000, v3;
	v3 =	vld [tilespmem:$0x2ED0]  }
0x6f: {  	v0 =	vmax.f32 v0, v1;
	v1 =	vsel vm9, $0xFF800000, v4;
	v4 =	vld [tilespmem:$0x2F50]  }
0x70: {  	v0 =	vmax.f32 v0, v1;
	v1 =	vsel vm10, $0xFF800000, v6;
	v6 =	vld [tilespmem:$0x2FD0]  }
0x71: {  	v0 =	vmax.f32 v0, v1;
	v1 =	vsel vm11, $0xFF800000, v5;
	v5 =	vld [tilespmem:$0x3060]  }
0x72: {  	v0 =	vmax.f32 v0, v1;
	v1 =	vsel vm12, $0xFF800000, v2;
	v2 =	vld [tilespmem:$0x30E0]  }
0x73: {  	v0 =	vmax.f32 v0, v1;
	v1 =	vsel vm13, $0xFF800000, v3;
	v3 =	vld [tilespmem:$0x3160]  }
0x74: {  	v0 =	vmax.f32 v0, v1;
	v1 =	vsel vm14, $0xFF800000, v4;
	v4 =	vld [tilespmem:$0x31E0]  }
0x75: {  	v0 =	vmax.f32 v0, v1;
	v1 =	vsel vm15, $0xFF800000, v6;
	v6 =	vld [tilespmem:$0x3260]  }
0x76: {  	v0 =	vmax.f32 v0, v1;
	v1 =	vnsel vm0, $0xFF800000, v5;
	v5 =	vld [tilespmem:$0x32E0]  }
0x77: {  	v0 =	vmax.f32 v0, v1;
	v1 =	vsel vm1, $0xFF800000, v2;
	v2 =	vld [tilespmem:$0x3360]  }
0x78: {  	v0 =	vmax.f32 v0, v1;
	v1 =	vsel vm2, $0xFF800000, v3;
	v3 =	vld [tilespmem:$0x33E0]  }
0x79: {  	v0 =	vmax.f32 v0, v1;
	v1 =	vsel vm3, $0xFF800000, v4;
	v4 =	vld [tilespmem:$0x3460]  }
0x7a: {  	v0 =	vmax.f32 v0, v1;
	v1 =	vsel vm4, $0xFF800000, v6;
	v6 =	vld [tilespmem:$0x34E0]  }
0x7b: {  	v0 =	vmax.f32 v0, v1;
	v1 =	vsel vm5, $0xFF800000, v5;
	v5 =	vld [tilespmem:$0x3560]  }
0x7c: {  	v0 =	vmax.f32 v0, v1;
	v1 =	vsel vm6, $0xFF800000, v2;
	v2 =	vld [tilespmem:$0x35E0]  }
0x7d: {  	v0 =	vmax.f32 v0, v1;
	v1 =	vsel vm7, $0xFF800000, v3;
	v3 =	vld [tilespmem:$0x3660]  }
0x7e: {  	v0 =	vmax.f32 v0, v1;
	v1 =	vsel vm8, $0xFF800000, v4;
	v4 =	vld [tilespmem:$0x36E0]  }
0x7f: {  	v0 =	vmax.f32 v0, v1;
	v1 =	vsel vm9, $0xFF800000, v6;
	v6 =	vld [tilespmem:$0x3760]  }
0x80: {  	v0 =	vmax.f32 v0, v1;
	v1 =	vsel vm10, $0xFF800000, v5;
	v5 =	vld [tilespmem:$0x37E0]  }
0x81: {  	v0 =	vmax.f32 v0, v1;
	v1 =	vsel vm11, $0xFF800000, v2;
	v2 =	vld [tilespmem:$0x3870]  }
0x82: {  	v0 =	vmax.f32 v0, v1;
	v1 =	vsel vm12, $0xFF800000, v3;
	v3 =	vld [tilespmem:$0x38F0]  }
0x83: {  	v0 =	vmax.f32 v0, v1;
	v1 =	vsel vm13, $0xFF800000, v4;
	v4 =	vld [tilespmem:$0x3970]  }
0x84: {  	v0 =	vmax.f32 v0, v1;
	v1 =	vsel vm14, $0xFF800000, v6;
	v6 =	vld [tilespmem:$0x39F0]  }
0x85: {  	v0 =	vmax.f32 v0, v1;
	v1 =	vsel vm15, $0xFF800000, v5;
	v5 =	vld [tilespmem:$0x3A70]  }
0x86: {  	v0 =	vmax.f32 v0, v1;
	v1 =	vnsel vm0, $0xFF800000, v2;
	v2 =	vld [tilespmem:$0x3AF0]  }
0x87: {  	v0 =	vmax.f32 v0, v1;
	v1 =	vsel vm1, $0xFF800000, v3;
	v3 =	vld [tilespmem:$0x3B70]  }
0x88: {  	v0 =	vmax.f32 v0, v1;
	v1 =	vsel vm2, $0xFF800000, v4;
	v4 =	vld [tilespmem:$0x3BF0]  }
0x89: {  	v0 =	vmax.f32 v0, v1;
	v1 =	vsel vm3, $0xFF800000, v6;
	v6 =	vld [tilespmem:$0x3C70]  }
0x8a: {  	v0 =	vmax.f32 v0, v1;
	v1 =	vsel vm4, $0xFF800000, v5;
	v5 =	vld [tilespmem:$0x3CF0]  }
0x8b: {  	v7 =	vld [tilespmem:$0x3D70];
	v0 =	vmax.f32 v0, v1;
	v1 =	vsel vm5, $0xFF800000, v2  }
0x8c: {  	v1 =	vmax.f32 v0, v1;
	v2 =	vsel vm6, $0xFF800000, v3;
	v0 =	vld [tilespmem:$0x3DF0]  }
0x8d: {  	v2 =	vmax.f32 v1, v2;
	v3 =	vsel vm7, $0xFF800000, v4;
	v1 =	vld [tilespmem:$0x3E70]  }
0x8e: {  	v3 =	vmax.f32 v2, v3;
	v4 =	vsel vm8, $0xFF800000, v6;
	v2 =	vld [tilespmem:$0x3EF0]  }
0x8f: {  	v4 =	vmax.f32 v3, v4;
	v5 =	vsel vm9, $0xFF800000, v5;
	v3 =	vld [tilespmem:$0x3F70]  }
0x90: {  	s11 =	simm.s32 $0x8000;
	s12 =	sadd.s32 $0x8080, s6;
	v6 =	vsel vm10, $0xFF800000, v7;
	v5 =	vmax.f32 v4, v5;
	v4 =	vld [tilespmem:$0x3FF0]  }
.LBB2_2:
0x91: {  	[tilespmem:s2], [sflag:$0x1] =	stream.strided.gather [hbm4b:s12+s7], $0x4000, s8, s7, $0x38;
	[tilespmem:$0x4080] =	vst v63  }
0x92: {  	p0 =	sne.s32 s11, $0x38000;
	s11 =	sadd.s32 $0x8000, s11;
	_ =	swait.ge [sflag:s3], $0x4000  }
0x93: {  	[sflag:s3] =	ssyncset.done $0x0  }
0x94: {  	[sflag:s3] =	ssyncadd.s32 $0xFFFFC000  }
0x95: {  	v5 =	vmax.f32 v5, v6;
	v0 =	vsel vm11, $0xFF800000, v0;
	v7 =	vld [tilespmem:$0x0]  }
0x96: {  	v0 =	vmax.f32 v5, v0;
	v1 =	vsel vm12, $0xFF800000, v1;
	v6 =	vld [tilespmem:$0x80]  }
0x97: {  	v0 =	vmax.f32 v0, v1;
	v1 =	vsel vm13, $0xFF800000, v2;
	v5 =	vld [tilespmem:$0x100]  }
0x98: {  	v0 =	vmax.f32 v0, v1;
	v1 =	vsel vm14, $0xFF800000, v3;
	v2 =	vld [tilespmem:$0x180]  }
0x99: {  	v0 =	vmax.f32 v0, v1;
	v1 =	vsel vm15, $0xFF800000, v4;
	v3 =	vld [tilespmem:$0x200]  }
0x9a: {  	v0 =	vmax.f32 v0, v1;
	v4 =	vnsel vm0, $0xFF800000, v7;
	v7 =	vld [tilespmem:$0x280]  }
0x9b: {  	v0 =	vmax.f32 v0, v4;
	v1 =	vsel vm1, $0xFF800000, v6;
	v4 =	vld [tilespmem:$0x300]  }
0x9c: {  	v0 =	vmax.f32 v0, v1;
	v1 =	vsel vm2, $0xFF800000, v5;
	v5 =	vld [tilespmem:$0x380]  }
0x9d: {  	v0 =	vmax.f32 v0, v1;
	v1 =	vsel vm3, $0xFF800000, v2;
	v2 =	vld [tilespmem:$0x400]  }
0x9e: {  	v0 =	vmax.f32 v0, v1;
	v1 =	vsel vm4, $0xFF800000, v3;
	v3 =	vld [tilespmem:$0x480]  }
0x9f: {  	v0 =	vmax.f32 v0, v1;
	v1 =	vsel vm5, $0xFF800000, v7;
	v6 =	vld [tilespmem:$0x500]  }
0xa0: {  	v0 =	vmax.f32 v0, v1;
	v1 =	vsel vm6, $0xFF800000, v4;
	v4 =	vld [tilespmem:$0x580]  }
0xa1: {  	v0 =	vmax.f32 v0, v1;
	v1 =	vsel vm7, $0xFF800000, v5;
	v5 =	vld [tilespmem:$0x600]  }
0xa2: {  	v0 =	vmax.f32 v0, v1;
	v1 =	vsel vm8, $0xFF800000, v2;
	v2 =	vld [tilespmem:$0x680]  }
0xa3: {  	v0 =	vmax.f32 v0, v1;
	v1 =	vsel vm9, $0xFF800000, v3;
	v3 =	vld [tilespmem:$0x700]  }
0xa4: {  	v0 =	vmax.f32 v0, v1;
	v1 =	vsel vm10, $0xFF800000, v6;
	v6 =	vld [tilespmem:$0x780]  }
0xa5: {  	v0 =	vmax.f32 v0, v1;
	v1 =	vsel vm11, $0xFF800000, v4;
	v4 =	vld [tilespmem:$0x810]  }
0xa6: {  	v0 =	vmax.f32 v0, v1;
	v1 =	vsel vm12, $0xFF800000, v5;
	v5 =	vld [tilespmem:$0x890]  }
0xa7: {  	v0 =	vmax.f32 v0, v1;
	v1 =	vsel vm13, $0xFF800000, v2;
	v2 =	vld [tilespmem:$0x910]  }
0xa8: {  	v0 =	vmax.f32 v0, v1;
	v1 =	vsel vm14, $0xFF800000, v3;
	v3 =	vld [tilespmem:$0x990]  }
0xa9: {  	v0 =	vmax.f32 v0, v1;
	v1 =	vsel vm15, $0xFF800000, v6;
	v6 =	vld [tilespmem:$0xA10]  }
0xaa: {  	v0 =	vmax.f32 v0, v1;
	v1 =	vnsel vm0, $0xFF800000, v4;
	v4 =	vld [tilespmem:$0xA90]  }
0xab: {  	v0 =	vmax.f32 v0, v1;
	v1 =	vsel vm1, $0xFF800000, v5;
	v5 =	vld [tilespmem:$0xB10]  }
0xac: {  	v0 =	vmax.f32 v0, v1;
	v1 =	vsel vm2, $0xFF800000, v2;
	v2 =	vld [tilespmem:$0xB90]  }
0xad: {  	v0 =	vmax.f32 v0, v1;
	v1 =	vsel vm3, $0xFF800000, v3;
	v3 =	vld [tilespmem:$0xC10]  }
0xae: {  	v0 =	vmax.f32 v0, v1;
	v1 =	vsel vm4, $0xFF800000, v6;
	v6 =	vld [tilespmem:$0xC90]  }
0xaf: {  	v0 =	vmax.f32 v0, v1;
	v1 =	vsel vm5, $0xFF800000, v4;
	v4 =	vld [tilespmem:$0xD10]  }
0xb0: {  	v0 =	vmax.f32 v0, v1;
	v1 =	vsel vm6, $0xFF800000, v5;
	v5 =	vld [tilespmem:$0xD90]  }
0xb1: {  	v0 =	vmax.f32 v0, v1;
	v1 =	vsel vm7, $0xFF800000, v2;
	v2 =	vld [tilespmem:$0xE10]  }
0xb2: {  	v0 =	vmax.f32 v0, v1;
	v1 =	vsel vm8, $0xFF800000, v3;
	v3 =	vld [tilespmem:$0xE90]  }
0xb3: {  	v0 =	vmax.f32 v0, v1;
	v1 =	vsel vm9, $0xFF800000, v6;
	v6 =	vld [tilespmem:$0xF10]  }
0xb4: {  	v0 =	vmax.f32 v0, v1;
	v1 =	vsel vm10, $0xFF800000, v4;
	v4 =	vld [tilespmem:$0xF90]  }
0xb5: {  	v0 =	vmax.f32 v0, v1;
	v1 =	vsel vm11, $0xFF800000, v5;
	v5 =	vld [tilespmem:$0x1020]  }
0xb6: {  	v0 =	vmax.f32 v0, v1;
	v1 =	vsel vm12, $0xFF800000, v2;
	v2 =	vld [tilespmem:$0x10A0]  }
0xb7: {  	v0 =	vmax.f32 v0, v1;
	v1 =	vsel vm13, $0xFF800000, v3;
	v3 =	vld [tilespmem:$0x1120]  }
0xb8: {  	v0 =	vmax.f32 v0, v1;
	v1 =	vsel vm14, $0xFF800000, v6;
	v6 =	vld [tilespmem:$0x11A0]  }
0xb9: {  	v0 =	vmax.f32 v0, v1;
	v1 =	vsel vm15, $0xFF800000, v4;
	v4 =	vld [tilespmem:$0x1220]  }
0xba: {  	v0 =	vmax.f32 v0, v1;
	v1 =	vnsel vm0, $0xFF800000, v5;
	v5 =	vld [tilespmem:$0x12A0]  }
0xbb: {  	v0 =	vmax.f32 v0, v1;
	v1 =	vsel vm1, $0xFF800000, v2;
	v2 =	vld [tilespmem:$0x1320]  }
0xbc: {  	v0 =	vmax.f32 v0, v1;
	v1 =	vsel vm2, $0xFF800000, v3;
	v3 =	vld [tilespmem:$0x13A0]  }
0xbd: {  	v0 =	vmax.f32 v0, v1;
	v1 =	vsel vm3, $0xFF800000, v6;
	v6 =	vld [tilespmem:$0x1420]  }
0xbe: {  	v0 =	vmax.f32 v0, v1;
	v1 =	vsel vm4, $0xFF800000, v4;
	v4 =	vld [tilespmem:$0x14A0]  }
0xbf: {  	v0 =	vmax.f32 v0, v1;
	v1 =	vsel vm5, $0xFF800000, v5;
	v5 =	vld [tilespmem:$0x1520]  }
0xc0: {  	v0 =	vmax.f32 v0, v1;
	v1 =	vsel vm6, $0xFF800000, v2;
	v2 =	vld [tilespmem:$0x15A0]  }
0xc1: {  	v0 =	vmax.f32 v0, v1;
	v1 =	vsel vm7, $0xFF800000, v3;
	v3 =	vld [tilespmem:$0x1620]  }
0xc2: {  	v0 =	vmax.f32 v0, v1;
	v1 =	vsel vm8, $0xFF800000, v6;
	v6 =	vld [tilespmem:$0x16A0]  }
0xc3: {  	v0 =	vmax.f32 v0, v1;
	v1 =	vsel vm9, $0xFF800000, v4;
	v4 =	vld [tilespmem:$0x1720]  }
0xc4: {  	v0 =	vmax.f32 v0, v1;
	v1 =	vsel vm10, $0xFF800000, v5;
	v5 =	vld [tilespmem:$0x17A0]  }
0xc5: {  	v0 =	vmax.f32 v0, v1;
	v1 =	vsel vm11, $0xFF800000, v2;
	v2 =	vld [tilespmem:$0x1830]  }
0xc6: {  	v0 =	vmax.f32 v0, v1;
	v1 =	vsel vm12, $0xFF800000, v3;
	v3 =	vld [tilespmem:$0x18B0]  }
0xc7: {  	v0 =	vmax.f32 v0, v1;
	v1 =	vsel vm13, $0xFF800000, v6;
	v6 =	vld [tilespmem:$0x1930]  }
0xc8: {  	v0 =	vmax.f32 v0, v1;
	v1 =	vsel vm14, $0xFF800000, v4;
	v4 =	vld [tilespmem:$0x19B0]  }
0xc9: {  	v0 =	vmax.f32 v0, v1;
	v1 =	vsel vm15, $0xFF800000, v5;
	v5 =	vld [tilespmem:$0x1A30]  }
0xca: {  	v0 =	vmax.f32 v0, v1;
	v1 =	vnsel vm0, $0xFF800000, v2;
	v2 =	vld [tilespmem:$0x1AB0]  }
0xcb: {  	v0 =	vmax.f32 v0, v1;
	v1 =	vsel vm1, $0xFF800000, v3;
	v3 =	vld [tilespmem:$0x1B30]  }
0xcc: {  	v0 =	vmax.f32 v0, v1;
	v1 =	vsel vm2, $0xFF800000, v6;
	v6 =	vld [tilespmem:$0x1BB0]  }
0xcd: {  	v0 =	vmax.f32 v0, v1;
	v1 =	vsel vm3, $0xFF800000, v4;
	v4 =	vld [tilespmem:$0x1C30]  }
0xce: {  	v0 =	vmax.f32 v0, v1;
	v1 =	vsel vm4, $0xFF800000, v5;
	v5 =	vld [tilespmem:$0x1CB0]  }
0xcf: {  	v0 =	vmax.f32 v0, v1;
	v1 =	vsel vm5, $0xFF800000, v2;
	v2 =	vld [tilespmem:$0x1D30]  }
0xd0: {  	v0 =	vmax.f32 v0, v1;
	v1 =	vsel vm6, $0xFF800000, v3;
	v3 =	vld [tilespmem:$0x1DB0]  }
0xd1: {  	v0 =	vmax.f32 v0, v1;
	v1 =	vsel vm7, $0xFF800000, v6;
	v6 =	vld [tilespmem:$0x1E30]  }
0xd2: {  	v0 =	vmax.f32 v0, v1;
	v1 =	vsel vm8, $0xFF800000, v4;
	v4 =	vld [tilespmem:$0x1EB0]  }
0xd3: {  	v0 =	vmax.f32 v0, v1;
	v1 =	vsel vm9, $0xFF800000, v5;
	v5 =	vld [tilespmem:$0x1F30]  }
0xd4: {  	v0 =	vmax.f32 v0, v1;
	v1 =	vsel vm10, $0xFF800000, v2;
	v2 =	vld [tilespmem:$0x1FB0]  }
0xd5: {  	v0 =	vmax.f32 v0, v1;
	v1 =	vsel vm11, $0xFF800000, v3;
	v3 =	vld [tilespmem:$0x2040]  }
0xd6: {  	v0 =	vmax.f32 v0, v1;
	v1 =	vsel vm12, $0xFF800000, v6;
	v6 =	vld [tilespmem:$0x20C0]  }
0xd7: {  	v0 =	vmax.f32 v0, v1;
	v1 =	vsel vm13, $0xFF800000, v4;
	v4 =	vld [tilespmem:$0x2140]  }
0xd8: {  	v0 =	vmax.f32 v0, v1;
	v1 =	vsel vm14, $0xFF800000, v5;
	v5 =	vld [tilespmem:$0x21C0]  }
0xd9: {  	v0 =	vmax.f32 v0, v1;
	v1 =	vsel vm15, $0xFF800000, v2;
	v2 =	vld [tilespmem:$0x2240]  }
0xda: {  	v0 =	vmax.f32 v0, v1;
	v1 =	vnsel vm0, $0xFF800000, v3;
	v3 =	vld [tilespmem:$0x22C0]  }
0xdb: {  	v0 =	vmax.f32 v0, v1;
	v1 =	vsel vm1, $0xFF800000, v6;
	v6 =	vld [tilespmem:$0x2340]  }
0xdc: {  	v0 =	vmax.f32 v0, v1;
	v1 =	vsel vm2, $0xFF800000, v4;
	v4 =	vld [tilespmem:$0x23C0]  }
0xdd: {  	v0 =	vmax.f32 v0, v1;
	v1 =	vsel vm3, $0xFF800000, v5;
	v5 =	vld [tilespmem:$0x2440]  }
0xde: {  	v0 =	vmax.f32 v0, v1;
	v1 =	vsel vm4, $0xFF800000, v2;
	v2 =	vld [tilespmem:$0x24C0]  }
0xdf: {  	v0 =	vmax.f32 v0, v1;
	v1 =	vsel vm5, $0xFF800000, v3;
	v3 =	vld [tilespmem:$0x2540]  }
0xe0: {  	v0 =	vmax.f32 v0, v1;
	v1 =	vsel vm6, $0xFF800000, v6;
	v6 =	vld [tilespmem:$0x25C0]  }
0xe1: {  	v0 =	vmax.f32 v0, v1;
	v1 =	vsel vm7, $0xFF800000, v4;
	v4 =	vld [tilespmem:$0x2640]  }
0xe2: {  	v0 =	vmax.f32 v0, v1;
	v1 =	vsel vm8, $0xFF800000, v5;
	v5 =	vld [tilespmem:$0x26C0]  }
0xe3: {  	v0 =	vmax.f32 v0, v1;
	v1 =	vsel vm9, $0xFF800000, v2;
	v2 =	vld [tilespmem:$0x2740]  }
0xe4: {  	v0 =	vmax.f32 v0, v1;
	v1 =	vsel vm10, $0xFF800000, v3;
	v3 =	vld [tilespmem:$0x27C0]  }
0xe5: {  	v0 =	vmax.f32 v0, v1;
	v1 =	vsel vm11, $0xFF800000, v6;
	v6 =	vld [tilespmem:$0x2850]  }
0xe6: {  	v0 =	vmax.f32 v0, v1;
	v1 =	vsel vm12, $0xFF800000, v4;
	v4 =	vld [tilespmem:$0x28D0]  }
0xe7: {  	v0 =	vmax.f32 v0, v1;
	v1 =	vsel vm13, $0xFF800000, v5;
	v5 =	vld [tilespmem:$0x2950]  }
0xe8: {  	v0 =	vmax.f32 v0, v1;
	v1 =	vsel vm14, $0xFF800000, v2;
	v2 =	vld [tilespmem:$0x29D0]  }
0xe9: {  	v0 =	vmax.f32 v0, v1;
	v1 =	vsel vm15, $0xFF800000, v3;
	v3 =	vld [tilespmem:$0x2A50]  }
0xea: {  	v0 =	vmax.f32 v0, v1;
	v1 =	vnsel vm0, $0xFF800000, v6;
	v6 =	vld [tilespmem:$0x2AD0]  }
0xeb: {  	v0 =	vmax.f32 v0, v1;
	v1 =	vsel vm1, $0xFF800000, v4;
	v4 =	vld [tilespmem:$0x2B50]  }
0xec: {  	v0 =	vmax.f32 v0, v1;
	v1 =	vsel vm2, $0xFF800000, v5;
	v5 =	vld [tilespmem:$0x2BD0]  }
0xed: {  	v0 =	vmax.f32 v0, v1;
	v1 =	vsel vm3, $0xFF800000, v2;
	v2 =	vld [tilespmem:$0x2C50]  }
0xee: {  	v0 =	vmax.f32 v0, v1;
	v1 =	vsel vm4, $0xFF800000, v3;
	v3 =	vld [tilespmem:$0x2CD0]  }
0xef: {  	v0 =	vmax.f32 v0, v1;
	v1 =	vsel vm5, $0xFF800000, v6;
	v6 =	vld [tilespmem:$0x2D50]  }
0xf0: {  	v0 =	vmax.f32 v0, v1;
	v1 =	vsel vm6, $0xFF800000, v4;
	v4 =	vld [tilespmem:$0x2DD0]  }
0xf1: {  	v0 =	vmax.f32 v0, v1;
	v1 =	vsel vm7, $0xFF800000, v5;
	v5 =	vld [tilespmem:$0x2E50]  }
0xf2: {  	v0 =	vmax.f32 v0, v1;
	v1 =	vsel vm8, $0xFF800000, v2;
	v2 =	vld [tilespmem:$0x2ED0]  }
0xf3: {  	v0 =	vmax.f32 v0, v1;
	v1 =	vsel vm9, $0xFF800000, v3;
	v3 =	vld [tilespmem:$0x2F50]  }
0xf4: {  	v0 =	vmax.f32 v0, v1;
	v1 =	vsel vm10, $0xFF800000, v6;
	v6 =	vld [tilespmem:$0x2FD0]  }
0xf5: {  	v0 =	vmax.f32 v0, v1;
	v1 =	vsel vm11, $0xFF800000, v4;
	v4 =	vld [tilespmem:$0x3060]  }
0xf6: {  	v0 =	vmax.f32 v0, v1;
	v1 =	vsel vm12, $0xFF800000, v5;
	v5 =	vld [tilespmem:$0x30E0]  }
0xf7: {  	v0 =	vmax.f32 v0, v1;
	v1 =	vsel vm13, $0xFF800000, v2;
	v2 =	vld [tilespmem:$0x3160]  }
0xf8: {  	v0 =	vmax.f32 v0, v1;
	v1 =	vsel vm14, $0xFF800000, v3;
	v3 =	vld [tilespmem:$0x31E0]  }
0xf9: {  	v0 =	vmax.f32 v0, v1;
	v1 =	vsel vm15, $0xFF800000, v6;
	v6 =	vld [tilespmem:$0x3260]  }
0xfa: {  	v0 =	vmax.f32 v0, v1;
	v1 =	vnsel vm0, $0xFF800000, v4;
	v4 =	vld [tilespmem:$0x32E0]  }
0xfb: {  	v0 =	vmax.f32 v0, v1;
	v1 =	vsel vm1, $0xFF800000, v5;
	v5 =	vld [tilespmem:$0x3360]  }
0xfc: {  	v0 =	vmax.f32 v0, v1;
	v1 =	vsel vm2, $0xFF800000, v2;
	v2 =	vld [tilespmem:$0x33E0]  }
0xfd: {  	v0 =	vmax.f32 v0, v1;
	v1 =	vsel vm3, $0xFF800000, v3;
	v3 =	vld [tilespmem:$0x3460]  }
0xfe: {  	v0 =	vmax.f32 v0, v1;
	v1 =	vsel vm4, $0xFF800000, v6;
	v6 =	vld [tilespmem:$0x34E0]  }
0xff: {  	v0 =	vmax.f32 v0, v1;
	v1 =	vsel vm5, $0xFF800000, v4;
	v4 =	vld [tilespmem:$0x3560]  }
0x100: {  	v0 =	vmax.f32 v0, v1;
	v1 =	vsel vm6, $0xFF800000, v5;
	v5 =	vld [tilespmem:$0x35E0]  }
0x101: {  	v0 =	vmax.f32 v0, v1;
	v1 =	vsel vm7, $0xFF800000, v2;
	v2 =	vld [tilespmem:$0x3660]  }
0x102: {  	v0 =	vmax.f32 v0, v1;
	v1 =	vsel vm8, $0xFF800000, v3;
	v3 =	vld [tilespmem:$0x36E0]  }
0x103: {  	v0 =	vmax.f32 v0, v1;
	v1 =	vsel vm9, $0xFF800000, v6;
	v6 =	vld [tilespmem:$0x3760]  }
0x104: {  	v0 =	vmax.f32 v0, v1;
	v1 =	vsel vm10, $0xFF800000, v4;
	v4 =	vld [tilespmem:$0x37E0]  }
0x105: {  	v0 =	vmax.f32 v0, v1;
	v1 =	vsel vm11, $0xFF800000, v5;
	v5 =	vld [tilespmem:$0x3870]  }
0x106: {  	v0 =	vmax.f32 v0, v1;
	v1 =	vsel vm12, $0xFF800000, v2;
	v2 =	vld [tilespmem:$0x38F0]  }
0x107: {  	v0 =	vmax.f32 v0, v1;
	v1 =	vsel vm13, $0xFF800000, v3;
	v3 =	vld [tilespmem:$0x3970]  }
0x108: {  	v0 =	vmax.f32 v0, v1;
	v1 =	vsel vm14, $0xFF800000, v6;
	v6 =	vld [tilespmem:$0x39F0]  }
0x109: {  	v0 =	vmax.f32 v0, v1;
	v1 =	vsel vm15, $0xFF800000, v4;
	v4 =	vld [tilespmem:$0x3A70]  }
0x10a: {  	v0 =	vmax.f32 v0, v1;
	v1 =	vnsel vm0, $0xFF800000, v5;
	v5 =	vld [tilespmem:$0x3AF0]  }
0x10b: {  	v0 =	vmax.f32 v0, v1;
	v1 =	vsel vm1, $0xFF800000, v2;
	v2 =	vld [tilespmem:$0x3B70]  }
0x10c: {  	v0 =	vmax.f32 v0, v1;
	v1 =	vsel vm2, $0xFF800000, v3;
	v3 =	vld [tilespmem:$0x3BF0]  }
0x10d: {  	v0 =	vmax.f32 v0, v1;
	v1 =	vsel vm3, $0xFF800000, v6;
	v6 =	vld [tilespmem:$0x3C70]  }
0x10e: {  	v0 =	vmax.f32 v0, v1;
	v1 =	vsel vm4, $0xFF800000, v4;
	v4 =	vld [tilespmem:$0x3CF0]  }
0x10f: {  	v0 =	vmax.f32 v0, v1;
	v1 =	vsel vm5, $0xFF800000, v5;
	v7 =	vld [tilespmem:$0x3D70]  }
.Ltmp0:
0x110: {  	v1 =	vmax.f32 v0, v1;
	v2 =	vsel vm6, $0xFF800000, v2;
	v0 =	vld [tilespmem:$0x3DF0];
	(pc) =	sbr.rel @p0 .LBB2_2-.Ltmp0, $4  }
0x111: {  	v2 =	vmax.f32 v1, v2;
	v3 =	vsel vm7, $0xFF800000, v3;
	v1 =	vld [tilespmem:$0x3E70]  }
0x112: {  	v3 =	vmax.f32 v2, v3;
	v5 =	vsel vm8, $0xFF800000, v6;
	v2 =	vld [tilespmem:$0x3EF0]  }
0x113: {  	v5 =	vmax.f32 v3, v5;
	v4 =	vsel vm9, $0xFF800000, v4;
	v3 =	vld [tilespmem:$0x3F70]  }
0x114: {  	s12 =	sadd.s32 $0x8080, s12;
	v5 =	vmax.f32 v5, v4;
	v6 =	vsel vm10, $0xFF800000, v7;
	v4 =	vld [tilespmem:$0x3FF0]  }
0x115: {  	v5 =	vmax.f32 v5, v6;
	v0 =	vsel vm11, $0xFF800000, v0  }
0x116: {  	v0 =	vmax.f32 v5, v0;
	v1 =	vsel vm12, $0xFF800000, v1  }
0x117: {  	v0 =	vmax.f32 v0, v1;
	v61 =	vsel vm13, $0xFF800000, v2  }
0x118: {  	v0 =	vmax.f32 v0, v61;
	v62 =	vsel vm14, $0xFF800000, v3  }
0x119: {  	s10 =	sadd.s32 $0x1, s10;
	v0 =	vmax.f32 v0, v62;
	v63 =	vsel vm15, $0xFF800000, v4  }
0x11a: {  	p0 =	sne.s32 s10, s5;
	v0 =	vmax.f32 v0, v63  }
.Ltmp1:
0x11b: {  	[tilespmem:$0x4000] =	vst v0;
	(pc) =	sbr.rel @p0 .LBB2_1-.Ltmp1, $4  }
0x11c: {  	[hbm4b:s4+s2] =	stream.linear.scatter [tilespmem:s8], [sflag:$0x2], $0x80, $0x38;
	[tilespmem:$0x4080] =	vst v63  }
0x11d: {  	_ =	swait.ge [sflag:s9], $0x80  }
0x11e: {  	[sflag:s9] =	ssyncset.done $0x0  }
0x11f: {  	[sflag:s9] =	ssyncadd.s32 $0xFFFFFF80  }
0x120: {  	_ =	sfence.sel $0x180000  }
0x121: {  	[bflag:$0x0] =	sbarrier.arrive $0xFFFF  }
0x122: {  	p0 =	sne.s32 s0, $0x0;
	_ =	strace $0x90000047  }
0x123: {  	s0 =	sadd.s32 @!p0 $0x100000, s1;
	[bflag:$0x2] =	sbarrier.arrive $0xFFFF  }
0x124: {  	[sflag:s0] =	ssyncadd.tile.s32 @!p0 $0x1;
	_ =	shalt  }
.Lfunc_end2:
_tile_overlayer_lowered:
.L_overlay_start_2:
0x125: {  	(tag) =	ssettag $0x2  }
0x126: {  	s0 =	rddreg [dreg:$0x0];
	s2 =	stileid.u32  }
0x127: {  	s1 =	rddreg [dreg:$0x1];
	p0 =	sne.s32 s2, $0x0  }
0x128: {  	s3 =	rddreg [dreg:$0x2];
	[bflag:$0x3] =	sbarrier.arrive $0xFFFF;
	s2 =	simm.s32 @!p0 $0x1C02  }
0x129: {  	[timem:s3], [sflag:s2] =	dma.local @!p0 [hbm:s0], s1  }
0x12a: {  	s0 =	simm.s32 @!p0 $0x2  }
0x12b: {  	_ =	swait.ge @!p0 [sflag:s0], s1  }
0x12c: {  	s1 =	ssub.s32 @!p0 $0x0, s1;
	[sflag:s0] =	ssyncset.done @!p0 $0x0  }
0x12d: {  	[sflag:s0] =	ssyncadd.s32 @!p0 s1  }
0x12e: {  	[bflag:$0x3] =	sbarrier.arrive $0xFFFF  }
0x12f: {  	_ =	shalt  }

</sc_bundles>
